<compile_context>
chip_gen: v7x
topology: tpu7x:2x2x1
jax: 0.10.2.dev20260603
libtpu: 0.0.44.dev20260713+nightly
codegen_flags: <defaults>
</compile_context>

<pallas_src>
import functools

import jax
import jax.numpy as jnp
from jax import lax
from jax.experimental import pallas as pl
from jax.experimental.pallas import tpu as pltpu
from jax.experimental.pallas import tpu_sc as plsc

B = 16384
D = 128
NC = 2
NS = 16
NW = NC * NS
ROWS_PER_W = B // NW
CHUNK = 128
NCHUNK = ROWS_PER_W // CHUNK
LANES = 16
GROUPS = D // LANES
LUNROLL = 4


def _sc_partial_sums(features, labels, centers):
    mesh = plsc.VectorSubcoreMesh(core_axis_name="c", subcore_axis_name="s")

    @functools.partial(
        pl.kernel,
        out_type=jax.ShapeDtypeStruct((NW * LANES,), jnp.float32),
        mesh=mesh,
        scratch_types=[
            pltpu.VMEM((ROWS_PER_W,), jnp.int32),
            pltpu.VMEM((3, CHUNK, D), jnp.float32),
            pltpu.VMEM((3, CHUNK, D), jnp.float32),
            pltpu.VMEM((LANES,), jnp.float32),
            pltpu.SemaphoreType.DMA,
            pltpu.SemaphoreType.DMA,
            pltpu.SemaphoreType.DMA,
        ],
    )
    def body(feat_hbm, lab_hbm, cent_hbm, out_hbm, idx_v, cent_v, feat_v,
             acc_v, sem0, sem1, sem2):
        cid = lax.axis_index("c")
        sid = lax.axis_index("s")
        wid = sid * NC + cid
        base = wid * ROWS_PER_W
        pltpu.sync_copy(lab_hbm.at[pl.ds(base, ROWS_PER_W)], idx_v)
        sems = (sem0, sem1, sem2)
        NSLOT = 3

        def start(j):
            s = sems[j % NSLOT]
            g = pltpu.async_copy(
                cent_hbm.at[idx_v.at[pl.ds(j * CHUNK, CHUNK)]],
                cent_v.at[j % NSLOT], s)
            f = pltpu.async_copy(feat_hbm.at[pl.ds(base + j * CHUNK, CHUNK)],
                                 feat_v.at[j % NSLOT], s)
            return (g, f)

        copies = [None] * NCHUNK
        copies[0] = start(0)
        copies[1] = start(1)
        accs = tuple(jnp.zeros((LANES,), jnp.float32) for _ in range(GROUPS))
        for j in range(NCHUNK):
            if j + 2 < NCHUNK:
                copies[j + 2] = start(j + 2)
            gcp, fcp = copies[j]
            gcp.wait()
            fcp.wait()
            b = j % NSLOT

            @plsc.parallel_loop(0, CHUNK, 1, unroll=LUNROLL, carry=accs)
            def accs(r, accs):
                out = list(accs)
                for g in range(GROUPS):
                    f = feat_v[b, r, pl.ds(g * LANES, LANES)]
                    c = cent_v[b, r, pl.ds(g * LANES, LANES)]
                    d = f - c
                    out[g] = out[g] + d * d
                return tuple(out)

        acc = accs[0]
        for g in range(1, GROUPS):
            acc = acc + accs[g]
        acc_v[...] = acc
        pltpu.sync_copy(acc_v, out_hbm.at[pl.ds(wid * LANES, LANES)])

    return body(features, labels, centers)


def kernel(features, labels, centers):
    labels = labels.astype(jnp.int32)
    partials = _sc_partial_sums(features, labels, centers)
    return jnp.sum(partials) / (2.0 * features.shape[0])

# --- scband reference (transcript-rebuilt; emitter-appended) ---
"""Pipeline reference for scband-center-loss-50122268344328 (READ-ONLY COPY).

The authoritative reference and input builder live on the scoring server;
editing this copy changes nothing except your own understanding.
"""

import jax, jax.numpy as jnp
import numpy as np


def setup_inputs(seed: int = 0) -> dict:
    key = jax.random.key(seed)
    k1, k2, k3 = jax.random.split(key, 3)
    features = jax.random.normal(k1, (16384, 128), dtype=jnp.float32)
    labels = jax.random.randint(k2, (16384,), 0, 100000, dtype=jnp.int64)
    centers = jax.random.normal(k3, (100000, 128), dtype=jnp.float32)
    return {"features": features, "labels": labels, "centers": centers}


def reference(features, labels, centers):
    # centers_batch = self.centers.index_select(0, labels)
    centers_batch = jnp.take(centers, labels, axis=0)
    batch_size = features.shape[0]
    loss = jnp.sum((features - centers_batch) ** 2) / (2.0 * batch_size)
    return loss

if __name__ == "__main__":
    import jax
    _d = setup_inputs()
    print(jax.jit(kernel)(*tuple(_d.values())))

</pallas_src>

<mosaic_0001>
#map = affine_map<(d0, d1) -> (0, 0)>
#map1 = affine_map<(d0, d1) -> (0)>
module attributes {stable_mosaic.version = 14 : i64} {
  func.func @body(%arg0: i32, %arg1: i32, %arg2: memref<16384x128xf32, #tpu.memory_space<hbm>>, %arg3: memref<16384xi32, #tpu.memory_space<hbm>>, %arg4: memref<100000x128xf32, #tpu.memory_space<hbm>>, %arg5: memref<512xf32, #tpu.memory_space<hbm>>, %arg6: memref<512xi32, #tpu.memory_space<vmem>>, %arg7: memref<3x128x128xf32, #tpu.memory_space<vmem>>, %arg8: memref<3x128x128xf32, #tpu.memory_space<vmem>>, %arg9: memref<16xf32, #tpu.memory_space<vmem>>, %arg10: memref<!tpu.dma_semaphore, #tpu.memory_space<semaphore_mem>>, %arg11: memref<!tpu.dma_semaphore, #tpu.memory_space<semaphore_mem>>, %arg12: memref<!tpu.dma_semaphore, #tpu.memory_space<semaphore_mem>>) attributes {dimension_semantics = [#tpu.dimension_semantics<core_parallel>, #tpu.dimension_semantics<subcore_parallel>], iteration_bounds = array<i64: 2, 16>, scalar_prefetch = 0 : i64, scratch_operands = 7 : i64, tpu.core_type = #tpu.core_type<sc_vector_subcore>, window_params = [{transform_indices = #map}, {transform_indices = #map1}, {transform_indices = #map}, {transform_indices = #map1}]} {
    %mul3A = arith.constant 2 : i32
    %mul3A_0 = arith.muli %arg1, %mul3A : i32
    %add3A = arith.addi %mul3A_0, %arg0 : i32
    %mul3A_1 = arith.constant 512 : i32
    %mul3A_2 = arith.muli %add3A, %mul3A_1 : i32
    "tpu.region"() ({
      %run_scoped3A = tpu.sem_alloc : memref<!tpu.dma_semaphore, #tpu.memory_space<semaphore_mem>>
      %dma_start3A_235 = tpu.memref_slice %arg3[%mul3A_2] : memref<16384xi32, #tpu.memory_space<hbm>> -> memref<512xi32, #tpu.memory_space<hbm>>
      %dma_start3A_236 = tpu.memref_slice %arg3[%mul3A_2] : memref<16384xi32, #tpu.memory_space<hbm>> -> memref<512xi32, #tpu.memory_space<hbm>>
      tpu.enqueue_dma source(%dma_start3A_236 : memref<512xi32, #tpu.memory_space<hbm>>) target(%arg6 : memref<512xi32, #tpu.memory_space<vmem>>) target_semaphore(%run_scoped3A : memref<!tpu.dma_semaphore, #tpu.memory_space<semaphore_mem>>)
      %dma_wait3A_237 = tpu.memref_slice %arg3[%mul3A_2] : memref<16384xi32, #tpu.memory_space<hbm>> -> memref<512xi32, #tpu.memory_space<hbm>>
      %dma_wait3A_238 = tpu.memref_slice %arg3[%mul3A_2] : memref<16384xi32, #tpu.memory_space<hbm>> -> memref<512xi32, #tpu.memory_space<hbm>>
      tpu.wait_dma2 semaphore(%run_scoped3A : memref<!tpu.dma_semaphore, #tpu.memory_space<semaphore_mem>>) src(%dma_wait3A_238 : memref<512xi32, #tpu.memory_space<hbm>>) dst(%arg6 : memref<512xi32, #tpu.memory_space<vmem>>)
      tpu.yield
    }) : () -> ()
    %dma_start3A = arith.constant 0 : i32
    %dma_start3A_3 = arith.constant 0 : i32
    %dma_start3A_4 = arith.constant 0 : i32
    %dma_start3A_5 = tpu.memref_slice %arg7[%dma_start3A, %dma_start3A_3, %dma_start3A_4] : memref<3x128x128xf32, #tpu.memory_space<vmem>> -> memref<1x128x128xf32, #tpu.memory_space<vmem>>
    %dma_start3A_6 = tpu.memref_squeeze %dma_start3A_5 : memref<1x128x128xf32, #tpu.memory_space<vmem>> -> memref<128x128xf32, #tpu.memory_space<vmem>>
    %dma_start3A_7 = arith.constant 0 : i32
    %dma_start3A_8 = tpu.memref_slice %arg6[%dma_start3A_7] : memref<512xi32, #tpu.memory_space<vmem>> -> memref<128xi32, #tpu.memory_space<vmem>>
    %dma_start3A_9 = arith.constant 0 : i32
    %dma_start3A_10 = arith.constant 0 : i32
    %dma_start3A_11 = tpu.memref_slice %arg4[%dma_start3A_9, %dma_start3A_10] : memref<100000x128xf32, #tpu.memory_space<hbm>> -> memref<100000x128xf32, #tpu.memory_space<hbm>>
    tpu.enqueue_indirect_dma source(%dma_start3A_11 : memref<100000x128xf32, #tpu.memory_space<hbm>>) target(%dma_start3A_6 : memref<128x128xf32, #tpu.memory_space<vmem>>) offsets(%dma_start3A_8 : memref<128xi32, #tpu.memory_space<vmem>>) semaphore(%arg10 : memref<!tpu.dma_semaphore, #tpu.memory_space<semaphore_mem>>)
    %add3A_12 = arith.constant 0 : i32
    %add3A_13 = arith.addi %mul3A_2, %add3A_12 : i32
    %dma_start3A_14 = arith.constant 0 : i32
    %dma_start3A_15 = arith.constant 0 : i32
    %dma_start3A_16 = arith.constant 0 : i32
    %dma_start3A_17 = tpu.memref_slice %arg8[%dma_start3A_14, %dma_start3A_15, %dma_start3A_16] : memref<3x128x128xf32, #tpu.memory_space<vmem>> -> memref<1x128x128xf32, #tpu.memory_space<vmem>>
    %dma_start3A_18 = tpu.memref_squeeze %dma_start3A_17 : memref<1x128x128xf32, #tpu.memory_space<vmem>> -> memref<128x128xf32, #tpu.memory_space<vmem>>
    %dma_start3A_19 = arith.constant 0 : i32
    %dma_start3A_20 = tpu.memref_slice %arg2[%add3A_13, %dma_start3A_19] : memref<16384x128xf32, #tpu.memory_space<hbm>> -> memref<128x128xf32, #tpu.memory_space<hbm>>
    %dma_start3A_21 = arith.constant 0 : i32
    %dma_start3A_22 = arith.constant 0 : i32
    %dma_start3A_23 = tpu.memref_slice %arg8[%dma_start3A_14, %dma_start3A_21, %dma_start3A_22] : memref<3x128x128xf32, #tpu.memory_space<vmem>> -> memref<1x128x128xf32, #tpu.memory_space<vmem>>
    %dma_start3A_24 = tpu.memref_squeeze %dma_start3A_23 : memref<1x128x128xf32, #tpu.memory_space<vmem>> -> memref<128x128xf32, #tpu.memory_space<vmem>>
    %dma_start3A_25 = arith.constant 0 : i32
    %dma_start3A_26 = tpu.memref_slice %arg2[%add3A_13, %dma_start3A_25] : memref<16384x128xf32, #tpu.memory_space<hbm>> -> memref<128x128xf32, #tpu.memory_space<hbm>>
    tpu.enqueue_dma source(%dma_start3A_26 : memref<128x128xf32, #tpu.memory_space<hbm>>) target(%dma_start3A_24 : memref<128x128xf32, #tpu.memory_space<vmem>>) target_semaphore(%arg10 : memref<!tpu.dma_semaphore, #tpu.memory_space<semaphore_mem>>)
    %dma_start3A_27 = arith.constant 1 : i32
    %dma_start3A_28 = arith.constant 0 : i32
    %dma_start3A_29 = arith.constant 0 : i32
    %dma_start3A_30 = tpu.memref_slice %arg7[%dma_start3A_27, %dma_start3A_28, %dma_start3A_29] : memref<3x128x128xf32, #tpu.memory_space<vmem>> -> memref<1x128x128xf32, #tpu.memory_space<vmem>>
    %dma_start3A_31 = tpu.memref_squeeze %dma_start3A_30 : memref<1x128x128xf32, #tpu.memory_space<vmem>> -> memref<128x128xf32, #tpu.memory_space<vmem>>
    %dma_start3A_32 = arith.constant 128 : i32
    %dma_start3A_33 = tpu.memref_slice %arg6[%dma_start3A_32] : memref<512xi32, #tpu.memory_space<vmem>> -> memref<128xi32, #tpu.memory_space<vmem>>
    %dma_start3A_34 = arith.constant 0 : i32
    %dma_start3A_35 = arith.constant 0 : i32
    %dma_start3A_36 = tpu.memref_slice %arg4[%dma_start3A_34, %dma_start3A_35] : memref<100000x128xf32, #tpu.memory_space<hbm>> -> memref<100000x128xf32, #tpu.memory_space<hbm>>
    tpu.enqueue_indirect_dma source(%dma_start3A_36 : memref<100000x128xf32, #tpu.memory_space<hbm>>) target(%dma_start3A_31 : memref<128x128xf32, #tpu.memory_space<vmem>>) offsets(%dma_start3A_33 : memref<128xi32, #tpu.memory_space<vmem>>) semaphore(%arg11 : memref<!tpu.dma_semaphore, #tpu.memory_space<semaphore_mem>>)
    %add3A_37 = arith.constant 128 : i32
    %add3A_38 = arith.addi %mul3A_2, %add3A_37 : i32
    %dma_start3A_39 = arith.constant 1 : i32
    %dma_start3A_40 = arith.constant 0 : i32
    %dma_start3A_41 = arith.constant 0 : i32
    %dma_start3A_42 = tpu.memref_slice %arg8[%dma_start3A_39, %dma_start3A_40, %dma_start3A_41] : memref<3x128x128xf32, #tpu.memory_space<vmem>> -> memref<1x128x128xf32, #tpu.memory_space<vmem>>
    %dma_start3A_43 = tpu.memref_squeeze %dma_start3A_42 : memref<1x128x128xf32, #tpu.memory_space<vmem>> -> memref<128x128xf32, #tpu.memory_space<vmem>>
    %dma_start3A_44 = arith.constant 0 : i32
    %dma_start3A_45 = tpu.memref_slice %arg2[%add3A_38, %dma_start3A_44] : memref<16384x128xf32, #tpu.memory_space<hbm>> -> memref<128x128xf32, #tpu.memory_space<hbm>>
    %dma_start3A_46 = arith.constant 0 : i32
    %dma_start3A_47 = arith.constant 0 : i32
    %dma_start3A_48 = tpu.memref_slice %arg8[%dma_start3A_39, %dma_start3A_46, %dma_start3A_47] : memref<3x128x128xf32, #tpu.memory_space<vmem>> -> memref<1x128x128xf32, #tpu.memory_space<vmem>>
    %dma_start3A_49 = tpu.memref_squeeze %dma_start3A_48 : memref<1x128x128xf32, #tpu.memory_space<vmem>> -> memref<128x128xf32, #tpu.memory_space<vmem>>
    %dma_start3A_50 = arith.constant 0 : i32
    %dma_start3A_51 = tpu.memref_slice %arg2[%add3A_38, %dma_start3A_50] : memref<16384x128xf32, #tpu.memory_space<hbm>> -> memref<128x128xf32, #tpu.memory_space<hbm>>
    tpu.enqueue_dma source(%dma_start3A_51 : memref<128x128xf32, #tpu.memory_space<hbm>>) target(%dma_start3A_49 : memref<128x128xf32, #tpu.memory_space<vmem>>) target_semaphore(%arg11 : memref<!tpu.dma_semaphore, #tpu.memory_space<semaphore_mem>>)
    %broadcast_in_dim3A = arith.constant 0.000000e+00 : f32
    %broadcast_in_dim3A_52 = vector.broadcast %broadcast_in_dim3A : f32 to vector<16xf32>
    %broadcast_in_dim3A_53 = arith.constant 0.000000e+00 : f32
    %broadcast_in_dim3A_54 = vector.broadcast %broadcast_in_dim3A_53 : f32 to vector<16xf32>
    %broadcast_in_dim3A_55 = arith.constant 0.000000e+00 : f32
    %broadcast_in_dim3A_56 = vector.broadcast %broadcast_in_dim3A_55 : f32 to vector<16xf32>
    %broadcast_in_dim3A_57 = arith.constant 0.000000e+00 : f32
    %broadcast_in_dim3A_58 = vector.broadcast %broadcast_in_dim3A_57 : f32 to vector<16xf32>
    %broadcast_in_dim3A_59 = arith.constant 0.000000e+00 : f32
    %broadcast_in_dim3A_60 = vector.broadcast %broadcast_in_dim3A_59 : f32 to vector<16xf32>
    %broadcast_in_dim3A_61 = arith.constant 0.000000e+00 : f32
    %broadcast_in_dim3A_62 = vector.broadcast %broadcast_in_dim3A_61 : f32 to vector<16xf32>
    %broadcast_in_dim3A_63 = arith.constant 0.000000e+00 : f32
    %broadcast_in_dim3A_64 = vector.broadcast %broadcast_in_dim3A_63 : f32 to vector<16xf32>
    %broadcast_in_dim3A_65 = arith.constant 0.000000e+00 : f32
    %broadcast_in_dim3A_66 = vector.broadcast %broadcast_in_dim3A_65 : f32 to vector<16xf32>
    %dma_start3A_67 = arith.constant 2 : i32
    %dma_start3A_68 = arith.constant 0 : i32
    %dma_start3A_69 = arith.constant 0 : i32
    %dma_start3A_70 = tpu.memref_slice %arg7[%dma_start3A_67, %dma_start3A_68, %dma_start3A_69] : memref<3x128x128xf32, #tpu.memory_space<vmem>> -> memref<1x128x128xf32, #tpu.memory_space<vmem>>
    %dma_start3A_71 = tpu.memref_squeeze %dma_start3A_70 : memref<1x128x128xf32, #tpu.memory_space<vmem>> -> memref<128x128xf32, #tpu.memory_space<vmem>>
    %dma_start3A_72 = arith.constant 256 : i32
    %dma_start3A_73 = tpu.memref_slice %arg6[%dma_start3A_72] : memref<512xi32, #tpu.memory_space<vmem>> -> memref<128xi32, #tpu.memory_space<vmem>>
    %dma_start3A_74 = arith.constant 0 : i32
    %dma_start3A_75 = arith.constant 0 : i32
    %dma_start3A_76 = tpu.memref_slice %arg4[%dma_start3A_74, %dma_start3A_75] : memref<100000x128xf32, #tpu.memory_space<hbm>> -> memref<100000x128xf32, #tpu.memory_space<hbm>>
    tpu.enqueue_indirect_dma source(%dma_start3A_76 : memref<100000x128xf32, #tpu.memory_space<hbm>>) target(%dma_start3A_71 : memref<128x128xf32, #tpu.memory_space<vmem>>) offsets(%dma_start3A_73 : memref<128xi32, #tpu.memory_space<vmem>>) semaphore(%arg12 : memref<!tpu.dma_semaphore, #tpu.memory_space<semaphore_mem>>)
    %add3A_77 = arith.constant 256 : i32
    %add3A_78 = arith.addi %mul3A_2, %add3A_77 : i32
    %dma_start3A_79 = arith.constant 2 : i32
    %dma_start3A_80 = arith.constant 0 : i32
    %dma_start3A_81 = arith.constant 0 : i32
    %dma_start3A_82 = tpu.memref_slice %arg8[%dma_start3A_79, %dma_start3A_80, %dma_start3A_81] : memref<3x128x128xf32, #tpu.memory_space<vmem>> -> memref<1x128x128xf32, #tpu.memory_space<vmem>>
    %dma_start3A_83 = tpu.memref_squeeze %dma_start3A_82 : memref<1x128x128xf32, #tpu.memory_space<vmem>> -> memref<128x128xf32, #tpu.memory_space<vmem>>
    %dma_start3A_84 = arith.constant 0 : i32
    %dma_start3A_85 = tpu.memref_slice %arg2[%add3A_78, %dma_start3A_84] : memref<16384x128xf32, #tpu.memory_space<hbm>> -> memref<128x128xf32, #tpu.memory_space<hbm>>
    %dma_start3A_86 = arith.constant 0 : i32
    %dma_start3A_87 = arith.constant 0 : i32
    %dma_start3A_88 = tpu.memref_slice %arg8[%dma_start3A_79, %dma_start3A_86, %dma_start3A_87] : memref<3x128x128xf32, #tpu.memory_space<vmem>> -> memref<1x128x128xf32, #tpu.memory_space<vmem>>
    %dma_start3A_89 = tpu.memref_squeeze %dma_start3A_88 : memref<1x128x128xf32, #tpu.memory_space<vmem>> -> memref<128x128xf32, #tpu.memory_space<vmem>>
    %dma_start3A_90 = arith.constant 0 : i32
    %dma_start3A_91 = tpu.memref_slice %arg2[%add3A_78, %dma_start3A_90] : memref<16384x128xf32, #tpu.memory_space<hbm>> -> memref<128x128xf32, #tpu.memory_space<hbm>>
    tpu.enqueue_dma source(%dma_start3A_91 : memref<128x128xf32, #tpu.memory_space<hbm>>) target(%dma_start3A_89 : memref<128x128xf32, #tpu.memory_space<vmem>>) target_semaphore(%arg12 : memref<!tpu.dma_semaphore, #tpu.memory_space<semaphore_mem>>)
    %dma_wait3A = arith.constant 0 : i32
    %dma_wait3A_92 = arith.constant 0 : i32
    %dma_wait3A_93 = arith.constant 0 : i32
    %dma_wait3A_94 = tpu.memref_slice %arg7[%dma_wait3A, %dma_wait3A_92, %dma_wait3A_93] : memref<3x128x128xf32, #tpu.memory_space<vmem>> -> memref<1x128x128xf32, #tpu.memory_space<vmem>>
    %dma_wait3A_95 = tpu.memref_squeeze %dma_wait3A_94 : memref<1x128x128xf32, #tpu.memory_space<vmem>> -> memref<128x128xf32, #tpu.memory_space<vmem>>
    %dma_wait3A_96 = arith.constant 0 : i32
    %dma_wait3A_97 = tpu.memref_slice %arg6[%dma_wait3A_96] : memref<512xi32, #tpu.memory_space<vmem>> -> memref<128xi32, #tpu.memory_space<vmem>>
    %dma_wait3A_98 = arith.constant 0 : i32
    %dma_wait3A_99 = arith.constant 0 : i32
    %dma_wait3A_100 = tpu.memref_slice %arg4[%dma_wait3A_98, %dma_wait3A_99] : memref<100000x128xf32, #tpu.memory_space<hbm>> -> memref<100000x128xf32, #tpu.memory_space<hbm>>
    tpu.wait_indirect_dma semaphore(%arg10 : memref<!tpu.dma_semaphore, #tpu.memory_space<semaphore_mem>>) src(%dma_wait3A_100 : memref<100000x128xf32, #tpu.memory_space<hbm>>) dst(%dma_wait3A_95 : memref<128x128xf32, #tpu.memory_space<vmem>>)
    %dma_wait3A_101 = arith.constant 0 : i32
    %dma_wait3A_102 = arith.constant 0 : i32
    %dma_wait3A_103 = arith.constant 0 : i32
    %dma_wait3A_104 = tpu.memref_slice %arg8[%dma_wait3A_101, %dma_wait3A_102, %dma_wait3A_103] : memref<3x128x128xf32, #tpu.memory_space<vmem>> -> memref<1x128x128xf32, #tpu.memory_space<vmem>>
    %dma_wait3A_105 = tpu.memref_squeeze %dma_wait3A_104 : memref<1x128x128xf32, #tpu.memory_space<vmem>> -> memref<128x128xf32, #tpu.memory_space<vmem>>
    %dma_wait3A_106 = arith.constant 0 : i32
    %dma_wait3A_107 = tpu.memref_slice %arg2[%add3A_13, %dma_wait3A_106] : memref<16384x128xf32, #tpu.memory_space<hbm>> -> memref<128x128xf32, #tpu.memory_space<hbm>>
    %dma_wait3A_108 = arith.constant 0 : i32
    %dma_wait3A_109 = arith.constant 0 : i32
    %dma_wait3A_110 = tpu.memref_slice %arg8[%dma_wait3A_101, %dma_wait3A_108, %dma_wait3A_109] : memref<3x128x128xf32, #tpu.memory_space<vmem>> -> memref<1x128x128xf32, #tpu.memory_space<vmem>>
    %dma_wait3A_111 = tpu.memref_squeeze %dma_wait3A_110 : memref<1x128x128xf32, #tpu.memory_space<vmem>> -> memref<128x128xf32, #tpu.memory_space<vmem>>
    %dma_wait3A_112 = arith.constant 0 : i32
    %dma_wait3A_113 = tpu.memref_slice %arg2[%add3A_13, %dma_wait3A_112] : memref<16384x128xf32, #tpu.memory_space<hbm>> -> memref<128x128xf32, #tpu.memory_space<hbm>>
    tpu.wait_dma2 semaphore(%arg10 : memref<!tpu.dma_semaphore, #tpu.memory_space<semaphore_mem>>) src(%dma_wait3A_113 : memref<128x128xf32, #tpu.memory_space<hbm>>) dst(%dma_wait3A_111 : memref<128x128xf32, #tpu.memory_space<vmem>>)
    %parallel_loop3A = arith.constant 0 : i32
    %parallel_loop3A_114 = arith.constant 128 : i32
    %parallel_loop3A_115 = arith.constant 1 : i32
    %parallel_loop3A_116:8 = scf.for %parallel_loop3A_235 = %parallel_loop3A to %parallel_loop3A_114 step %parallel_loop3A_115 iter_args(%parallel_loop3A_236 = %broadcast_in_dim3A_52, %parallel_loop3A_237 = %broadcast_in_dim3A_54, %parallel_loop3A_238 = %broadcast_in_dim3A_56, %parallel_loop3A_239 = %broadcast_in_dim3A_58, %parallel_loop3A_240 = %broadcast_in_dim3A_60, %parallel_loop3A_241 = %broadcast_in_dim3A_62, %parallel_loop3A_242 = %broadcast_in_dim3A_64, %parallel_loop3A_243 = %broadcast_in_dim3A_66) -> (vector<16xf32>, vector<16xf32>, vector<16xf32>, vector<16xf32>, vector<16xf32>, vector<16xf32>, vector<16xf32>, vector<16xf32>)  : i32 {
      %parallel_loop3A_244 = arith.constant 0 : i32
      %parallel_loop3A_245 = arith.index_cast %parallel_loop3A_244 : i32 to index
      %parallel_loop3A_246 = arith.index_cast %parallel_loop3A_235 : i32 to index
      %parallel_loop3A_247 = arith.constant 0 : index
      %parallel_loop3A_248 = tpu.vector_load %arg8[%parallel_loop3A_245, %parallel_loop3A_246, %parallel_loop3A_247] {strides = array<i32>} : memref<3x128x128xf32, #tpu.memory_space<vmem>>, vector<1x1x16xf32>,
      %parallel_loop3A_249 = vector.shape_cast %parallel_loop3A_248 : vector<1x1x16xf32> to vector<16xf32>
      %parallel_loop3A_250 = arith.constant 0 : i32
      %parallel_loop3A_251 = arith.index_cast %parallel_loop3A_250 : i32 to index
      %parallel_loop3A_252 = arith.index_cast %parallel_loop3A_235 : i32 to index
      %parallel_loop3A_253 = arith.constant 0 : index
      %parallel_loop3A_254 = tpu.vector_load %arg7[%parallel_loop3A_251, %parallel_loop3A_252, %parallel_loop3A_253] {strides = array<i32>} : memref<3x128x128xf32, #tpu.memory_space<vmem>>, vector<1x1x16xf32>,
      %parallel_loop3A_255 = vector.shape_cast %parallel_loop3A_254 : vector<1x1x16xf32> to vector<16xf32>
      %parallel_loop3A_256 = arith.subf %parallel_loop3A_249, %parallel_loop3A_255 : vector<16xf32>
      %parallel_loop3A_257 = arith.mulf %parallel_loop3A_256, %parallel_loop3A_256 : vector<16xf32>
      %parallel_loop3A_258 = arith.addf %parallel_loop3A_236, %parallel_loop3A_257 : vector<16xf32>
      %parallel_loop3A_259 = arith.constant 0 : i32
      %parallel_loop3A_260 = arith.index_cast %parallel_loop3A_259 : i32 to index
      %parallel_loop3A_261 = arith.index_cast %parallel_loop3A_235 : i32 to index
      %parallel_loop3A_262 = arith.constant 16 : index
      %parallel_loop3A_263 = tpu.vector_load %arg8[%parallel_loop3A_260, %parallel_loop3A_261, %parallel_loop3A_262] {strides = array<i32>} : memref<3x128x128xf32, #tpu.memory_space<vmem>>, vector<1x1x16xf32>,
      %parallel_loop3A_264 = vector.shape_cast %parallel_loop3A_263 : vector<1x1x16xf32> to vector<16xf32>
      %parallel_loop3A_265 = arith.constant 0 : i32
      %parallel_loop3A_266 = arith.index_cast %parallel_loop3A_265 : i32 to index
      %parallel_loop3A_267 = arith.index_cast %parallel_loop3A_235 : i32 to index
      %parallel_loop3A_268 = arith.constant 16 : index
      %parallel_loop3A_269 = tpu.vector_load %arg7[%parallel_loop3A_266, %parallel_loop3A_267, %parallel_loop3A_268] {strides = array<i32>} : memref<3x128x128xf32, #tpu.memory_space<vmem>>, vector<1x1x16xf32>,
      %parallel_loop3A_270 = vector.shape_cast %parallel_loop3A_269 : vector<1x1x16xf32> to vector<16xf32>
      %parallel_loop3A_271 = arith.subf %parallel_loop3A_264, %parallel_loop3A_270 : vector<16xf32>
      %parallel_loop3A_272 = arith.mulf %parallel_loop3A_271, %parallel_loop3A_271 : vector<16xf32>
      %parallel_loop3A_273 = arith.addf %parallel_loop3A_237, %parallel_loop3A_272 : vector<16xf32>
      %parallel_loop3A_274 = arith.constant 0 : i32
      %parallel_loop3A_275 = arith.index_cast %parallel_loop3A_274 : i32 to index
      %parallel_loop3A_276 = arith.index_cast %parallel_loop3A_235 : i32 to index
      %parallel_loop3A_277 = arith.constant 32 : index
      %parallel_loop3A_278 = tpu.vector_load %arg8[%parallel_loop3A_275, %parallel_loop3A_276, %parallel_loop3A_277] {strides = array<i32>} : memref<3x128x128xf32, #tpu.memory_space<vmem>>, vector<1x1x16xf32>,
      %parallel_loop3A_279 = vector.shape_cast %parallel_loop3A_278 : vector<1x1x16xf32> to vector<16xf32>
      %parallel_loop3A_280 = arith.constant 0 : i32
      %parallel_loop3A_281 = arith.index_cast %parallel_loop3A_280 : i32 to index
      %parallel_loop3A_282 = arith.index_cast %parallel_loop3A_235 : i32 to index
      %parallel_loop3A_283 = arith.constant 32 : index
      %parallel_loop3A_284 = tpu.vector_load %arg7[%parallel_loop3A_281, %parallel_loop3A_282, %parallel_loop3A_283] {strides = array<i32>} : memref<3x128x128xf32, #tpu.memory_space<vmem>>, vector<1x1x16xf32>,
      %parallel_loop3A_285 = vector.shape_cast %parallel_loop3A_284 : vector<1x1x16xf32> to vector<16xf32>
      %parallel_loop3A_286 = arith.subf %parallel_loop3A_279, %parallel_loop3A_285 : vector<16xf32>
      %parallel_loop3A_287 = arith.mulf %parallel_loop3A_286, %parallel_loop3A_286 : vector<16xf32>
      %parallel_loop3A_288 = arith.addf %parallel_loop3A_238, %parallel_loop3A_287 : vector<16xf32>
      %parallel_loop3A_289 = arith.constant 0 : i32
      %parallel_loop3A_290 = arith.index_cast %parallel_loop3A_289 : i32 to index
      %parallel_loop3A_291 = arith.index_cast %parallel_loop3A_235 : i32 to index
      %parallel_loop3A_292 = arith.constant 48 : index
      %parallel_loop3A_293 = tpu.vector_load %arg8[%parallel_loop3A_290, %parallel_loop3A_291, %parallel_loop3A_292] {strides = array<i32>} : memref<3x128x128xf32, #tpu.memory_space<vmem>>, vector<1x1x16xf32>,
      %parallel_loop3A_294 = vector.shape_cast %parallel_loop3A_293 : vector<1x1x16xf32> to vector<16xf32>
      %parallel_loop3A_295 = arith.constant 0 : i32
      %parallel_loop3A_296 = arith.index_cast %parallel_loop3A_295 : i32 to index
      %parallel_loop3A_297 = arith.index_cast %parallel_loop3A_235 : i32 to index
      %parallel_loop3A_298 = arith.constant 48 : index
      %parallel_loop3A_299 = tpu.vector_load %arg7[%parallel_loop3A_296, %parallel_loop3A_297, %parallel_loop3A_298] {strides = array<i32>} : memref<3x128x128xf32, #tpu.memory_space<vmem>>, vector<1x1x16xf32>,
      %parallel_loop3A_300 = vector.shape_cast %parallel_loop3A_299 : vector<1x1x16xf32> to vector<16xf32>
      %parallel_loop3A_301 = arith.subf %parallel_loop3A_294, %parallel_loop3A_300 : vector<16xf32>
      %parallel_loop3A_302 = arith.mulf %parallel_loop3A_301, %parallel_loop3A_301 : vector<16xf32>
      %parallel_loop3A_303 = arith.addf %parallel_loop3A_239, %parallel_loop3A_302 : vector<16xf32>
      %parallel_loop3A_304 = arith.constant 0 : i32
      %parallel_loop3A_305 = arith.index_cast %parallel_loop3A_304 : i32 to index
      %parallel_loop3A_306 = arith.index_cast %parallel_loop3A_235 : i32 to index
      %parallel_loop3A_307 = arith.constant 64 : index
      %parallel_loop3A_308 = tpu.vector_load %arg8[%parallel_loop3A_305, %parallel_loop3A_306, %parallel_loop3A_307] {strides = array<i32>} : memref<3x128x128xf32, #tpu.memory_space<vmem>>, vector<1x1x16xf32>,
      %parallel_loop3A_309 = vector.shape_cast %parallel_loop3A_308 : vector<1x1x16xf32> to vector<16xf32>
      %parallel_loop3A_310 = arith.constant 0 : i32
      %parallel_loop3A_311 = arith.index_cast %parallel_loop3A_310 : i32 to index
      %parallel_loop3A_312 = arith.index_cast %parallel_loop3A_235 : i32 to index
      %parallel_loop3A_313 = arith.constant 64 : index
      %parallel_loop3A_314 = tpu.vector_load %arg7[%parallel_loop3A_311, %parallel_loop3A_312, %parallel_loop3A_313] {strides = array<i32>} : memref<3x128x128xf32, #tpu.memory_space<vmem>>, vector<1x1x16xf32>,
      %parallel_loop3A_315 = vector.shape_cast %parallel_loop3A_314 : vector<1x1x16xf32> to vector<16xf32>
      %parallel_loop3A_316 = arith.subf %parallel_loop3A_309, %parallel_loop3A_315 : vector<16xf32>
      %parallel_loop3A_317 = arith.mulf %parallel_loop3A_316, %parallel_loop3A_316 : vector<16xf32>
      %parallel_loop3A_318 = arith.addf %parallel_loop3A_240, %parallel_loop3A_317 : vector<16xf32>
      %parallel_loop3A_319 = arith.constant 0 : i32
      %parallel_loop3A_320 = arith.index_cast %parallel_loop3A_319 : i32 to index
      %parallel_loop3A_321 = arith.index_cast %parallel_loop3A_235 : i32 to index
      %parallel_loop3A_322 = arith.constant 80 : index
      %parallel_loop3A_323 = tpu.vector_load %arg8[%parallel_loop3A_320, %parallel_loop3A_321, %parallel_loop3A_322] {strides = array<i32>} : memref<3x128x128xf32, #tpu.memory_space<vmem>>, vector<1x1x16xf32>,
      %parallel_loop3A_324 = vector.shape_cast %parallel_loop3A_323 : vector<1x1x16xf32> to vector<16xf32>
      %parallel_loop3A_325 = arith.constant 0 : i32
      %parallel_loop3A_326 = arith.index_cast %parallel_loop3A_325 : i32 to index
      %parallel_loop3A_327 = arith.index_cast %parallel_loop3A_235 : i32 to index
      %parallel_loop3A_328 = arith.constant 80 : index
      %parallel_loop3A_329 = tpu.vector_load %arg7[%parallel_loop3A_326, %parallel_loop3A_327, %parallel_loop3A_328] {strides = array<i32>} : memref<3x128x128xf32, #tpu.memory_space<vmem>>, vector<1x1x16xf32>,
      %parallel_loop3A_330 = vector.shape_cast %parallel_loop3A_329 : vector<1x1x16xf32> to vector<16xf32>
      %parallel_loop3A_331 = arith.subf %parallel_loop3A_324, %parallel_loop3A_330 : vector<16xf32>
      %parallel_loop3A_332 = arith.mulf %parallel_loop3A_331, %parallel_loop3A_331 : vector<16xf32>
      %parallel_loop3A_333 = arith.addf %parallel_loop3A_241, %parallel_loop3A_332 : vector<16xf32>
      %parallel_loop3A_334 = arith.constant 0 : i32
      %parallel_loop3A_335 = arith.index_cast %parallel_loop3A_334 : i32 to index
      %parallel_loop3A_336 = arith.index_cast %parallel_loop3A_235 : i32 to index
      %parallel_loop3A_337 = arith.constant 96 : index
      %parallel_loop3A_338 = tpu.vector_load %arg8[%parallel_loop3A_335, %parallel_loop3A_336, %parallel_loop3A_337] {strides = array<i32>} : memref<3x128x128xf32, #tpu.memory_space<vmem>>, vector<1x1x16xf32>,
      %parallel_loop3A_339 = vector.shape_cast %parallel_loop3A_338 : vector<1x1x16xf32> to vector<16xf32>
      %parallel_loop3A_340 = arith.constant 0 : i32
      %parallel_loop3A_341 = arith.index_cast %parallel_loop3A_340 : i32 to index
      %parallel_loop3A_342 = arith.index_cast %parallel_loop3A_235 : i32 to index
      %parallel_loop3A_343 = arith.constant 96 : index
      %parallel_loop3A_344 = tpu.vector_load %arg7[%parallel_loop3A_341, %parallel_loop3A_342, %parallel_loop3A_343] {strides = array<i32>} : memref<3x128x128xf32, #tpu.memory_space<vmem>>, vector<1x1x16xf32>,
      %parallel_loop3A_345 = vector.shape_cast %parallel_loop3A_344 : vector<1x1x16xf32> to vector<16xf32>
      %parallel_loop3A_346 = arith.subf %parallel_loop3A_339, %parallel_loop3A_345 : vector<16xf32>
      %parallel_loop3A_347 = arith.mulf %parallel_loop3A_346, %parallel_loop3A_346 : vector<16xf32>
      %parallel_loop3A_348 = arith.addf %parallel_loop3A_242, %parallel_loop3A_347 : vector<16xf32>
      %parallel_loop3A_349 = arith.constant 0 : i32
      %parallel_loop3A_350 = arith.index_cast %parallel_loop3A_349 : i32 to index
      %parallel_loop3A_351 = arith.index_cast %parallel_loop3A_235 : i32 to index
      %parallel_loop3A_352 = arith.constant 112 : index
      %parallel_loop3A_353 = tpu.vector_load %arg8[%parallel_loop3A_350, %parallel_loop3A_351, %parallel_loop3A_352] {strides = array<i32>} : memref<3x128x128xf32, #tpu.memory_space<vmem>>, vector<1x1x16xf32>,
      %parallel_loop3A_354 = vector.shape_cast %parallel_loop3A_353 : vector<1x1x16xf32> to vector<16xf32>
      %parallel_loop3A_355 = arith.constant 0 : i32
      %parallel_loop3A_356 = arith.index_cast %parallel_loop3A_355 : i32 to index
      %parallel_loop3A_357 = arith.index_cast %parallel_loop3A_235 : i32 to index
      %parallel_loop3A_358 = arith.constant 112 : index
      %parallel_loop3A_359 = tpu.vector_load %arg7[%parallel_loop3A_356, %parallel_loop3A_357, %parallel_loop3A_358] {strides = array<i32>} : memref<3x128x128xf32, #tpu.memory_space<vmem>>, vector<1x1x16xf32>,
      %parallel_loop3A_360 = vector.shape_cast %parallel_loop3A_359 : vector<1x1x16xf32> to vector<16xf32>
      %parallel_loop3A_361 = arith.subf %parallel_loop3A_354, %parallel_loop3A_360 : vector<16xf32>
      %parallel_loop3A_362 = arith.mulf %parallel_loop3A_361, %parallel_loop3A_361 : vector<16xf32>
      %parallel_loop3A_363 = arith.addf %parallel_loop3A_243, %parallel_loop3A_362 : vector<16xf32>
      scf.yield %parallel_loop3A_258, %parallel_loop3A_273, %parallel_loop3A_288, %parallel_loop3A_303, %parallel_loop3A_318, %parallel_loop3A_333, %parallel_loop3A_348, %parallel_loop3A_363 : vector<16xf32>, vector<16xf32>, vector<16xf32>, vector<16xf32>, vector<16xf32>, vector<16xf32>, vector<16xf32>, vector<16xf32>
    } {sc.loop_unroll_factor = 4 : i64, sc.parallel_access}
    %dma_start3A_117 = arith.constant 0 : i32
    %dma_start3A_118 = arith.constant 0 : i32
    %dma_start3A_119 = arith.constant 0 : i32
    %dma_start3A_120 = tpu.memref_slice %arg7[%dma_start3A_117, %dma_start3A_118, %dma_start3A_119] : memref<3x128x128xf32, #tpu.memory_space<vmem>> -> memref<1x128x128xf32, #tpu.memory_space<vmem>>
    %dma_start3A_121 = tpu.memref_squeeze %dma_start3A_120 : memref<1x128x128xf32, #tpu.memory_space<vmem>> -> memref<128x128xf32, #tpu.memory_space<vmem>>
    %dma_start3A_122 = arith.constant 384 : i32
    %dma_start3A_123 = tpu.memref_slice %arg6[%dma_start3A_122] : memref<512xi32, #tpu.memory_space<vmem>> -> memref<128xi32, #tpu.memory_space<vmem>>
    %dma_start3A_124 = arith.constant 0 : i32
    %dma_start3A_125 = arith.constant 0 : i32
    %dma_start3A_126 = tpu.memref_slice %arg4[%dma_start3A_124, %dma_start3A_125] : memref<100000x128xf32, #tpu.memory_space<hbm>> -> memref<100000x128xf32, #tpu.memory_space<hbm>>
    tpu.enqueue_indirect_dma source(%dma_start3A_126 : memref<100000x128xf32, #tpu.memory_space<hbm>>) target(%dma_start3A_121 : memref<128x128xf32, #tpu.memory_space<vmem>>) offsets(%dma_start3A_123 : memref<128xi32, #tpu.memory_space<vmem>>) semaphore(%arg10 : memref<!tpu.dma_semaphore, #tpu.memory_space<semaphore_mem>>)
    %add3A_127 = arith.constant 384 : i32
    %add3A_128 = arith.addi %mul3A_2, %add3A_127 : i32
    %dma_start3A_129 = arith.constant 0 : i32
    %dma_start3A_130 = arith.constant 0 : i32
    %dma_start3A_131 = arith.constant 0 : i32
    %dma_start3A_132 = tpu.memref_slice %arg8[%dma_start3A_129, %dma_start3A_130, %dma_start3A_131] : memref<3x128x128xf32, #tpu.memory_space<vmem>> -> memref<1x128x128xf32, #tpu.memory_space<vmem>>
    %dma_start3A_133 = tpu.memref_squeeze %dma_start3A_132 : memref<1x128x128xf32, #tpu.memory_space<vmem>> -> memref<128x128xf32, #tpu.memory_space<vmem>>
    %dma_start3A_134 = arith.constant 0 : i32
    %dma_start3A_135 = tpu.memref_slice %arg2[%add3A_128, %dma_start3A_134] : memref<16384x128xf32, #tpu.memory_space<hbm>> -> memref<128x128xf32, #tpu.memory_space<hbm>>
    %dma_start3A_136 = arith.constant 0 : i32
    %dma_start3A_137 = arith.constant 0 : i32
    %dma_start3A_138 = tpu.memref_slice %arg8[%dma_start3A_129, %dma_start3A_136, %dma_start3A_137] : memref<3x128x128xf32, #tpu.memory_space<vmem>> -> memref<1x128x128xf32, #tpu.memory_space<vmem>>
    %dma_start3A_139 = tpu.memref_squeeze %dma_start3A_138 : memref<1x128x128xf32, #tpu.memory_space<vmem>> -> memref<128x128xf32, #tpu.memory_space<vmem>>
    %dma_start3A_140 = arith.constant 0 : i32
    %dma_start3A_141 = tpu.memref_slice %arg2[%add3A_128, %dma_start3A_140] : memref<16384x128xf32, #tpu.memory_space<hbm>> -> memref<128x128xf32, #tpu.memory_space<hbm>>
    tpu.enqueue_dma source(%dma_start3A_141 : memref<128x128xf32, #tpu.memory_space<hbm>>) target(%dma_start3A_139 : memref<128x128xf32, #tpu.memory_space<vmem>>) target_semaphore(%arg10 : memref<!tpu.dma_semaphore, #tpu.memory_space<semaphore_mem>>)
    %dma_wait3A_142 = arith.constant 1 : i32
    %dma_wait3A_143 = arith.constant 0 : i32
    %dma_wait3A_144 = arith.constant 0 : i32
    %dma_wait3A_145 = tpu.memref_slice %arg7[%dma_wait3A_142, %dma_wait3A_143, %dma_wait3A_144] : memref<3x128x128xf32, #tpu.memory_space<vmem>> -> memref<1x128x128xf32, #tpu.memory_space<vmem>>
    %dma_wait3A_146 = tpu.memref_squeeze %dma_wait3A_145 : memref<1x128x128xf32, #tpu.memory_space<vmem>> -> memref<128x128xf32, #tpu.memory_space<vmem>>
    %dma_wait3A_147 = arith.constant 128 : i32
    %dma_wait3A_148 = tpu.memref_slice %arg6[%dma_wait3A_147] : memref<512xi32, #tpu.memory_space<vmem>> -> memref<128xi32, #tpu.memory_space<vmem>>
    %dma_wait3A_149 = arith.constant 0 : i32
    %dma_wait3A_150 = arith.constant 0 : i32
    %dma_wait3A_151 = tpu.memref_slice %arg4[%dma_wait3A_149, %dma_wait3A_150] : memref<100000x128xf32, #tpu.memory_space<hbm>> -> memref<100000x128xf32, #tpu.memory_space<hbm>>
    tpu.wait_indirect_dma semaphore(%arg11 : memref<!tpu.dma_semaphore, #tpu.memory_space<semaphore_mem>>) src(%dma_wait3A_151 : memref<100000x128xf32, #tpu.memory_space<hbm>>) dst(%dma_wait3A_146 : memref<128x128xf32, #tpu.memory_space<vmem>>)
    %dma_wait3A_152 = arith.constant 1 : i32
    %dma_wait3A_153 = arith.constant 0 : i32
    %dma_wait3A_154 = arith.constant 0 : i32
    %dma_wait3A_155 = tpu.memref_slice %arg8[%dma_wait3A_152, %dma_wait3A_153, %dma_wait3A_154] : memref<3x128x128xf32, #tpu.memory_space<vmem>> -> memref<1x128x128xf32, #tpu.memory_space<vmem>>
    %dma_wait3A_156 = tpu.memref_squeeze %dma_wait3A_155 : memref<1x128x128xf32, #tpu.memory_space<vmem>> -> memref<128x128xf32, #tpu.memory_space<vmem>>
    %dma_wait3A_157 = arith.constant 0 : i32
    %dma_wait3A_158 = tpu.memref_slice %arg2[%add3A_38, %dma_wait3A_157] : memref<16384x128xf32, #tpu.memory_space<hbm>> -> memref<128x128xf32, #tpu.memory_space<hbm>>
    %dma_wait3A_159 = arith.constant 0 : i32
    %dma_wait3A_160 = arith.constant 0 : i32
    %dma_wait3A_161 = tpu.memref_slice %arg8[%dma_wait3A_152, %dma_wait3A_159, %dma_wait3A_160] : memref<3x128x128xf32, #tpu.memory_space<vmem>> -> memref<1x128x128xf32, #tpu.memory_space<vmem>>
    %dma_wait3A_162 = tpu.memref_squeeze %dma_wait3A_161 : memref<1x128x128xf32, #tpu.memory_space<vmem>> -> memref<128x128xf32, #tpu.memory_space<vmem>>
    %dma_wait3A_163 = arith.constant 0 : i32
    %dma_wait3A_164 = tpu.memref_slice %arg2[%add3A_38, %dma_wait3A_163] : memref<16384x128xf32, #tpu.memory_space<hbm>> -> memref<128x128xf32, #tpu.memory_space<hbm>>
    tpu.wait_dma2 semaphore(%arg11 : memref<!tpu.dma_semaphore, #tpu.memory_space<semaphore_mem>>) src(%dma_wait3A_164 : memref<128x128xf32, #tpu.memory_space<hbm>>) dst(%dma_wait3A_162 : memref<128x128xf32, #tpu.memory_space<vmem>>)
    %parallel_loop3A_165 = arith.constant 0 : i32
    %parallel_loop3A_166 = arith.constant 128 : i32
    %parallel_loop3A_167 = arith.constant 1 : i32
    %parallel_loop3A_168:8 = scf.for %parallel_loop3A_235 = %parallel_loop3A_165 to %parallel_loop3A_166 step %parallel_loop3A_167 iter_args(%parallel_loop3A_236 = %parallel_loop3A_116#0, %parallel_loop3A_237 = %parallel_loop3A_116#1, %parallel_loop3A_238 = %parallel_loop3A_116#2, %parallel_loop3A_239 = %parallel_loop3A_116#3, %parallel_loop3A_240 = %parallel_loop3A_116#4, %parallel_loop3A_241 = %parallel_loop3A_116#5, %parallel_loop3A_242 = %parallel_loop3A_116#6, %parallel_loop3A_243 = %parallel_loop3A_116#7) -> (vector<16xf32>, vector<16xf32>, vector<16xf32>, vector<16xf32>, vector<16xf32>, vector<16xf32>, vector<16xf32>, vector<16xf32>)  : i32 {
      %parallel_loop3A_244 = arith.constant 1 : i32
      %parallel_loop3A_245 = arith.index_cast %parallel_loop3A_244 : i32 to index
      %parallel_loop3A_246 = arith.index_cast %parallel_loop3A_235 : i32 to index
      %parallel_loop3A_247 = arith.constant 0 : index
      %parallel_loop3A_248 = tpu.vector_load %arg8[%parallel_loop3A_245, %parallel_loop3A_246, %parallel_loop3A_247] {strides = array<i32>} : memref<3x128x128xf32, #tpu.memory_space<vmem>>, vector<1x1x16xf32>,
      %parallel_loop3A_249 = vector.shape_cast %parallel_loop3A_248 : vector<1x1x16xf32> to vector<16xf32>
      %parallel_loop3A_250 = arith.constant 1 : i32
      %parallel_loop3A_251 = arith.index_cast %parallel_loop3A_250 : i32 to index
      %parallel_loop3A_252 = arith.index_cast %parallel_loop3A_235 : i32 to index
      %parallel_loop3A_253 = arith.constant 0 : index
      %parallel_loop3A_254 = tpu.vector_load %arg7[%parallel_loop3A_251, %parallel_loop3A_252, %parallel_loop3A_253] {strides = array<i32>} : memref<3x128x128xf32, #tpu.memory_space<vmem>>, vector<1x1x16xf32>,
      %parallel_loop3A_255 = vector.shape_cast %parallel_loop3A_254 : vector<1x1x16xf32> to vector<16xf32>
      %parallel_loop3A_256 = arith.subf %parallel_loop3A_249, %parallel_loop3A_255 : vector<16xf32>
      %parallel_loop3A_257 = arith.mulf %parallel_loop3A_256, %parallel_loop3A_256 : vector<16xf32>
      %parallel_loop3A_258 = arith.addf %parallel_loop3A_236, %parallel_loop3A_257 : vector<16xf32>
      %parallel_loop3A_259 = arith.constant 1 : i32
      %parallel_loop3A_260 = arith.index_cast %parallel_loop3A_259 : i32 to index
      %parallel_loop3A_261 = arith.index_cast %parallel_loop3A_235 : i32 to index
      %parallel_loop3A_262 = arith.constant 16 : index
      %parallel_loop3A_263 = tpu.vector_load %arg8[%parallel_loop3A_260, %parallel_loop3A_261, %parallel_loop3A_262] {strides = array<i32>} : memref<3x128x128xf32, #tpu.memory_space<vmem>>, vector<1x1x16xf32>,
      %parallel_loop3A_264 = vector.shape_cast %parallel_loop3A_263 : vector<1x1x16xf32> to vector<16xf32>
      %parallel_loop3A_265 = arith.constant 1 : i32
      %parallel_loop3A_266 = arith.index_cast %parallel_loop3A_265 : i32 to index
      %parallel_loop3A_267 = arith.index_cast %parallel_loop3A_235 : i32 to index
      %parallel_loop3A_268 = arith.constant 16 : index
      %parallel_loop3A_269 = tpu.vector_load %arg7[%parallel_loop3A_266, %parallel_loop3A_267, %parallel_loop3A_268] {strides = array<i32>} : memref<3x128x128xf32, #tpu.memory_space<vmem>>, vector<1x1x16xf32>,
      %parallel_loop3A_270 = vector.shape_cast %parallel_loop3A_269 : vector<1x1x16xf32> to vector<16xf32>
      %parallel_loop3A_271 = arith.subf %parallel_loop3A_264, %parallel_loop3A_270 : vector<16xf32>
      %parallel_loop3A_272 = arith.mulf %parallel_loop3A_271, %parallel_loop3A_271 : vector<16xf32>
      %parallel_loop3A_273 = arith.addf %parallel_loop3A_237, %parallel_loop3A_272 : vector<16xf32>
      %parallel_loop3A_274 = arith.constant 1 : i32
      %parallel_loop3A_275 = arith.index_cast %parallel_loop3A_274 : i32 to index
      %parallel_loop3A_276 = arith.index_cast %parallel_loop3A_235 : i32 to index
      %parallel_loop3A_277 = arith.constant 32 : index
      %parallel_loop3A_278 = tpu.vector_load %arg8[%parallel_loop3A_275, %parallel_loop3A_276, %parallel_loop3A_277] {strides = array<i32>} : memref<3x128x128xf32, #tpu.memory_space<vmem>>, vector<1x1x16xf32>,
      %parallel_loop3A_279 = vector.shape_cast %parallel_loop3A_278 : vector<1x1x16xf32> to vector<16xf32>
      %parallel_loop3A_280 = arith.constant 1 : i32
      %parallel_loop3A_281 = arith.index_cast %parallel_loop3A_280 : i32 to index
      %parallel_loop3A_282 = arith.index_cast %parallel_loop3A_235 : i32 to index
      %parallel_loop3A_283 = arith.constant 32 : index
      %parallel_loop3A_284 = tpu.vector_load %arg7[%parallel_loop3A_281, %parallel_loop3A_282, %parallel_loop3A_283] {strides = array<i32>} : memref<3x128x128xf32, #tpu.memory_space<vmem>>, vector<1x1x16xf32>,
      %parallel_loop3A_285 = vector.shape_cast %parallel_loop3A_284 : vector<1x1x16xf32> to vector<16xf32>
      %parallel_loop3A_286 = arith.subf %parallel_loop3A_279, %parallel_loop3A_285 : vector<16xf32>
      %parallel_loop3A_287 = arith.mulf %parallel_loop3A_286, %parallel_loop3A_286 : vector<16xf32>
      %parallel_loop3A_288 = arith.addf %parallel_loop3A_238, %parallel_loop3A_287 : vector<16xf32>
      %parallel_loop3A_289 = arith.constant 1 : i32
      %parallel_loop3A_290 = arith.index_cast %parallel_loop3A_289 : i32 to index
      %parallel_loop3A_291 = arith.index_cast %parallel_loop3A_235 : i32 to index
      %parallel_loop3A_292 = arith.constant 48 : index
      %parallel_loop3A_293 = tpu.vector_load %arg8[%parallel_loop3A_290, %parallel_loop3A_291, %parallel_loop3A_292] {strides = array<i32>} : memref<3x128x128xf32, #tpu.memory_space<vmem>>, vector<1x1x16xf32>,
      %parallel_loop3A_294 = vector.shape_cast %parallel_loop3A_293 : vector<1x1x16xf32> to vector<16xf32>
      %parallel_loop3A_295 = arith.constant 1 : i32
      %parallel_loop3A_296 = arith.index_cast %parallel_loop3A_295 : i32 to index
      %parallel_loop3A_297 = arith.index_cast %parallel_loop3A_235 : i32 to index
      %parallel_loop3A_298 = arith.constant 48 : index
      %parallel_loop3A_299 = tpu.vector_load %arg7[%parallel_loop3A_296, %parallel_loop3A_297, %parallel_loop3A_298] {strides = array<i32>} : memref<3x128x128xf32, #tpu.memory_space<vmem>>, vector<1x1x16xf32>,
      %parallel_loop3A_300 = vector.shape_cast %parallel_loop3A_299 : vector<1x1x16xf32> to vector<16xf32>
      %parallel_loop3A_301 = arith.subf %parallel_loop3A_294, %parallel_loop3A_300 : vector<16xf32>
      %parallel_loop3A_302 = arith.mulf %parallel_loop3A_301, %parallel_loop3A_301 : vector<16xf32>
      %parallel_loop3A_303 = arith.addf %parallel_loop3A_239, %parallel_loop3A_302 : vector<16xf32>
      %parallel_loop3A_304 = arith.constant 1 : i32
      %parallel_loop3A_305 = arith.index_cast %parallel_loop3A_304 : i32 to index
      %parallel_loop3A_306 = arith.index_cast %parallel_loop3A_235 : i32 to index
      %parallel_loop3A_307 = arith.constant 64 : index
      %parallel_loop3A_308 = tpu.vector_load %arg8[%parallel_loop3A_305, %parallel_loop3A_306, %parallel_loop3A_307] {strides = array<i32>} : memref<3x128x128xf32, #tpu.memory_space<vmem>>, vector<1x1x16xf32>,
      %parallel_loop3A_309 = vector.shape_cast %parallel_loop3A_308 : vector<1x1x16xf32> to vector<16xf32>
      %parallel_loop3A_310 = arith.constant 1 : i32
      %parallel_loop3A_311 = arith.index_cast %parallel_loop3A_310 : i32 to index
      %parallel_loop3A_312 = arith.index_cast %parallel_loop3A_235 : i32 to index
      %parallel_loop3A_313 = arith.constant 64 : index
      %parallel_loop3A_314 = tpu.vector_load %arg7[%parallel_loop3A_311, %parallel_loop3A_312, %parallel_loop3A_313] {strides = array<i32>} : memref<3x128x128xf32, #tpu.memory_space<vmem>>, vector<1x1x16xf32>,
      %parallel_loop3A_315 = vector.shape_cast %parallel_loop3A_314 : vector<1x1x16xf32> to vector<16xf32>
      %parallel_loop3A_316 = arith.subf %parallel_loop3A_309, %parallel_loop3A_315 : vector<16xf32>
      %parallel_loop3A_317 = arith.mulf %parallel_loop3A_316, %parallel_loop3A_316 : vector<16xf32>
      %parallel_loop3A_318 = arith.addf %parallel_loop3A_240, %parallel_loop3A_317 : vector<16xf32>
      %parallel_loop3A_319 = arith.constant 1 : i32
      %parallel_loop3A_320 = arith.index_cast %parallel_loop3A_319 : i32 to index
      %parallel_loop3A_321 = arith.index_cast %parallel_loop3A_235 : i32 to index
      %parallel_loop3A_322 = arith.constant 80 : index
      %parallel_loop3A_323 = tpu.vector_load %arg8[%parallel_loop3A_320, %parallel_loop3A_321, %parallel_loop3A_322] {strides = array<i32>} : memref<3x128x128xf32, #tpu.memory_space<vmem>>, vector<1x1x16xf32>,
      %parallel_loop3A_324 = vector.shape_cast %parallel_loop3A_323 : vector<1x1x16xf32> to vector<16xf32>
      %parallel_loop3A_325 = arith.constant 1 : i32
      %parallel_loop3A_326 = arith.index_cast %parallel_loop3A_325 : i32 to index
      %parallel_loop3A_327 = arith.index_cast %parallel_loop3A_235 : i32 to index
      %parallel_loop3A_328 = arith.constant 80 : index
      %parallel_loop3A_329 = tpu.vector_load %arg7[%parallel_loop3A_326, %parallel_loop3A_327, %parallel_loop3A_328] {strides = array<i32>} : memref<3x128x128xf32, #tpu.memory_space<vmem>>, vector<1x1x16xf32>,
      %parallel_loop3A_330 = vector.shape_cast %parallel_loop3A_329 : vector<1x1x16xf32> to vector<16xf32>
      %parallel_loop3A_331 = arith.subf %parallel_loop3A_324, %parallel_loop3A_330 : vector<16xf32>
      %parallel_loop3A_332 = arith.mulf %parallel_loop3A_331, %parallel_loop3A_331 : vector<16xf32>
      %parallel_loop3A_333 = arith.addf %parallel_loop3A_241, %parallel_loop3A_332 : vector<16xf32>
      %parallel_loop3A_334 = arith.constant 1 : i32
      %parallel_loop3A_335 = arith.index_cast %parallel_loop3A_334 : i32 to index
      %parallel_loop3A_336 = arith.index_cast %parallel_loop3A_235 : i32 to index
      %parallel_loop3A_337 = arith.constant 96 : index
      %parallel_loop3A_338 = tpu.vector_load %arg8[%parallel_loop3A_335, %parallel_loop3A_336, %parallel_loop3A_337] {strides = array<i32>} : memref<3x128x128xf32, #tpu.memory_space<vmem>>, vector<1x1x16xf32>,
      %parallel_loop3A_339 = vector.shape_cast %parallel_loop3A_338 : vector<1x1x16xf32> to vector<16xf32>
      %parallel_loop3A_340 = arith.constant 1 : i32
      %parallel_loop3A_341 = arith.index_cast %parallel_loop3A_340 : i32 to index
      %parallel_loop3A_342 = arith.index_cast %parallel_loop3A_235 : i32 to index
      %parallel_loop3A_343 = arith.constant 96 : index
      %parallel_loop3A_344 = tpu.vector_load %arg7[%parallel_loop3A_341, %parallel_loop3A_342, %parallel_loop3A_343] {strides = array<i32>} : memref<3x128x128xf32, #tpu.memory_space<vmem>>, vector<1x1x16xf32>,
      %parallel_loop3A_345 = vector.shape_cast %parallel_loop3A_344 : vector<1x1x16xf32> to vector<16xf32>
      %parallel_loop3A_346 = arith.subf %parallel_loop3A_339, %parallel_loop3A_345 : vector<16xf32>
      %parallel_loop3A_347 = arith.mulf %parallel_loop3A_346, %parallel_loop3A_346 : vector<16xf32>
      %parallel_loop3A_348 = arith.addf %parallel_loop3A_242, %parallel_loop3A_347 : vector<16xf32>
      %parallel_loop3A_349 = arith.constant 1 : i32
      %parallel_loop3A_350 = arith.index_cast %parallel_loop3A_349 : i32 to index
      %parallel_loop3A_351 = arith.index_cast %parallel_loop3A_235 : i32 to index
      %parallel_loop3A_352 = arith.constant 112 : index
      %parallel_loop3A_353 = tpu.vector_load %arg8[%parallel_loop3A_350, %parallel_loop3A_351, %parallel_loop3A_352] {strides = array<i32>} : memref<3x128x128xf32, #tpu.memory_space<vmem>>, vector<1x1x16xf32>,
      %parallel_loop3A_354 = vector.shape_cast %parallel_loop3A_353 : vector<1x1x16xf32> to vector<16xf32>
      %parallel_loop3A_355 = arith.constant 1 : i32
      %parallel_loop3A_356 = arith.index_cast %parallel_loop3A_355 : i32 to index
      %parallel_loop3A_357 = arith.index_cast %parallel_loop3A_235 : i32 to index
      %parallel_loop3A_358 = arith.constant 112 : index
      %parallel_loop3A_359 = tpu.vector_load %arg7[%parallel_loop3A_356, %parallel_loop3A_357, %parallel_loop3A_358] {strides = array<i32>} : memref<3x128x128xf32, #tpu.memory_space<vmem>>, vector<1x1x16xf32>,
      %parallel_loop3A_360 = vector.shape_cast %parallel_loop3A_359 : vector<1x1x16xf32> to vector<16xf32>
      %parallel_loop3A_361 = arith.subf %parallel_loop3A_354, %parallel_loop3A_360 : vector<16xf32>
      %parallel_loop3A_362 = arith.mulf %parallel_loop3A_361, %parallel_loop3A_361 : vector<16xf32>
      %parallel_loop3A_363 = arith.addf %parallel_loop3A_243, %parallel_loop3A_362 : vector<16xf32>
      scf.yield %parallel_loop3A_258, %parallel_loop3A_273, %parallel_loop3A_288, %parallel_loop3A_303, %parallel_loop3A_318, %parallel_loop3A_333, %parallel_loop3A_348, %parallel_loop3A_363 : vector<16xf32>, vector<16xf32>, vector<16xf32>, vector<16xf32>, vector<16xf32>, vector<16xf32>, vector<16xf32>, vector<16xf32>
    } {sc.loop_unroll_factor = 4 : i64, sc.parallel_access}
    %dma_wait3A_169 = arith.constant 2 : i32
    %dma_wait3A_170 = arith.constant 0 : i32
    %dma_wait3A_171 = arith.constant 0 : i32
    %dma_wait3A_172 = tpu.memref_slice %arg7[%dma_wait3A_169, %dma_wait3A_170, %dma_wait3A_171] : memref<3x128x128xf32, #tpu.memory_space<vmem>> -> memref<1x128x128xf32, #tpu.memory_space<vmem>>
    %dma_wait3A_173 = tpu.memref_squeeze %dma_wait3A_172 : memref<1x128x128xf32, #tpu.memory_space<vmem>> -> memref<128x128xf32, #tpu.memory_space<vmem>>
    %dma_wait3A_174 = arith.constant 256 : i32
    %dma_wait3A_175 = tpu.memref_slice %arg6[%dma_wait3A_174] : memref<512xi32, #tpu.memory_space<vmem>> -> memref<128xi32, #tpu.memory_space<vmem>>
    %dma_wait3A_176 = arith.constant 0 : i32
    %dma_wait3A_177 = arith.constant 0 : i32
    %dma_wait3A_178 = tpu.memref_slice %arg4[%dma_wait3A_176, %dma_wait3A_177] : memref<100000x128xf32, #tpu.memory_space<hbm>> -> memref<100000x128xf32, #tpu.memory_space<hbm>>
    tpu.wait_indirect_dma semaphore(%arg12 : memref<!tpu.dma_semaphore, #tpu.memory_space<semaphore_mem>>) src(%dma_wait3A_178 : memref<100000x128xf32, #tpu.memory_space<hbm>>) dst(%dma_wait3A_173 : memref<128x128xf32, #tpu.memory_space<vmem>>)
    %dma_wait3A_179 = arith.constant 2 : i32
    %dma_wait3A_180 = arith.constant 0 : i32
    %dma_wait3A_181 = arith.constant 0 : i32
    %dma_wait3A_182 = tpu.memref_slice %arg8[%dma_wait3A_179, %dma_wait3A_180, %dma_wait3A_181] : memref<3x128x128xf32, #tpu.memory_space<vmem>> -> memref<1x128x128xf32, #tpu.memory_space<vmem>>
    %dma_wait3A_183 = tpu.memref_squeeze %dma_wait3A_182 : memref<1x128x128xf32, #tpu.memory_space<vmem>> -> memref<128x128xf32, #tpu.memory_space<vmem>>
    %dma_wait3A_184 = arith.constant 0 : i32
    %dma_wait3A_185 = tpu.memref_slice %arg2[%add3A_78, %dma_wait3A_184] : memref<16384x128xf32, #tpu.memory_space<hbm>> -> memref<128x128xf32, #tpu.memory_space<hbm>>
    %dma_wait3A_186 = arith.constant 0 : i32
    %dma_wait3A_187 = arith.constant 0 : i32
    %dma_wait3A_188 = tpu.memref_slice %arg8[%dma_wait3A_179, %dma_wait3A_186, %dma_wait3A_187] : memref<3x128x128xf32, #tpu.memory_space<vmem>> -> memref<1x128x128xf32, #tpu.memory_space<vmem>>
    %dma_wait3A_189 = tpu.memref_squeeze %dma_wait3A_188 : memref<1x128x128xf32, #tpu.memory_space<vmem>> -> memref<128x128xf32, #tpu.memory_space<vmem>>
    %dma_wait3A_190 = arith.constant 0 : i32
    %dma_wait3A_191 = tpu.memref_slice %arg2[%add3A_78, %dma_wait3A_190] : memref<16384x128xf32, #tpu.memory_space<hbm>> -> memref<128x128xf32, #tpu.memory_space<hbm>>
    tpu.wait_dma2 semaphore(%arg12 : memref<!tpu.dma_semaphore, #tpu.memory_space<semaphore_mem>>) src(%dma_wait3A_191 : memref<128x128xf32, #tpu.memory_space<hbm>>) dst(%dma_wait3A_189 : memref<128x128xf32, #tpu.memory_space<vmem>>)
    %parallel_loop3A_192 = arith.constant 0 : i32
    %parallel_loop3A_193 = arith.constant 128 : i32
    %parallel_loop3A_194 = arith.constant 1 : i32
    %parallel_loop3A_195:8 = scf.for %parallel_loop3A_235 = %parallel_loop3A_192 to %parallel_loop3A_193 step %parallel_loop3A_194 iter_args(%parallel_loop3A_236 = %parallel_loop3A_168#0, %parallel_loop3A_237 = %parallel_loop3A_168#1, %parallel_loop3A_238 = %parallel_loop3A_168#2, %parallel_loop3A_239 = %parallel_loop3A_168#3, %parallel_loop3A_240 = %parallel_loop3A_168#4, %parallel_loop3A_241 = %parallel_loop3A_168#5, %parallel_loop3A_242 = %parallel_loop3A_168#6, %parallel_loop3A_243 = %parallel_loop3A_168#7) -> (vector<16xf32>, vector<16xf32>, vector<16xf32>, vector<16xf32>, vector<16xf32>, vector<16xf32>, vector<16xf32>, vector<16xf32>)  : i32 {
      %parallel_loop3A_244 = arith.constant 2 : i32
      %parallel_loop3A_245 = arith.index_cast %parallel_loop3A_244 : i32 to index
      %parallel_loop3A_246 = arith.index_cast %parallel_loop3A_235 : i32 to index
      %parallel_loop3A_247 = arith.constant 0 : index
      %parallel_loop3A_248 = tpu.vector_load %arg8[%parallel_loop3A_245, %parallel_loop3A_246, %parallel_loop3A_247] {strides = array<i32>} : memref<3x128x128xf32, #tpu.memory_space<vmem>>, vector<1x1x16xf32>,
      %parallel_loop3A_249 = vector.shape_cast %parallel_loop3A_248 : vector<1x1x16xf32> to vector<16xf32>
      %parallel_loop3A_250 = arith.constant 2 : i32
      %parallel_loop3A_251 = arith.index_cast %parallel_loop3A_250 : i32 to index
      %parallel_loop3A_252 = arith.index_cast %parallel_loop3A_235 : i32 to index
      %parallel_loop3A_253 = arith.constant 0 : index
      %parallel_loop3A_254 = tpu.vector_load %arg7[%parallel_loop3A_251, %parallel_loop3A_252, %parallel_loop3A_253] {strides = array<i32>} : memref<3x128x128xf32, #tpu.memory_space<vmem>>, vector<1x1x16xf32>,
      %parallel_loop3A_255 = vector.shape_cast %parallel_loop3A_254 : vector<1x1x16xf32> to vector<16xf32>
      %parallel_loop3A_256 = arith.subf %parallel_loop3A_249, %parallel_loop3A_255 : vector<16xf32>
      %parallel_loop3A_257 = arith.mulf %parallel_loop3A_256, %parallel_loop3A_256 : vector<16xf32>
      %parallel_loop3A_258 = arith.addf %parallel_loop3A_236, %parallel_loop3A_257 : vector<16xf32>
      %parallel_loop3A_259 = arith.constant 2 : i32
      %parallel_loop3A_260 = arith.index_cast %parallel_loop3A_259 : i32 to index
      %parallel_loop3A_261 = arith.index_cast %parallel_loop3A_235 : i32 to index
      %parallel_loop3A_262 = arith.constant 16 : index
      %parallel_loop3A_263 = tpu.vector_load %arg8[%parallel_loop3A_260, %parallel_loop3A_261, %parallel_loop3A_262] {strides = array<i32>} : memref<3x128x128xf32, #tpu.memory_space<vmem>>, vector<1x1x16xf32>,
      %parallel_loop3A_264 = vector.shape_cast %parallel_loop3A_263 : vector<1x1x16xf32> to vector<16xf32>
      %parallel_loop3A_265 = arith.constant 2 : i32
      %parallel_loop3A_266 = arith.index_cast %parallel_loop3A_265 : i32 to index
      %parallel_loop3A_267 = arith.index_cast %parallel_loop3A_235 : i32 to index
      %parallel_loop3A_268 = arith.constant 16 : index
      %parallel_loop3A_269 = tpu.vector_load %arg7[%parallel_loop3A_266, %parallel_loop3A_267, %parallel_loop3A_268] {strides = array<i32>} : memref<3x128x128xf32, #tpu.memory_space<vmem>>, vector<1x1x16xf32>,
      %parallel_loop3A_270 = vector.shape_cast %parallel_loop3A_269 : vector<1x1x16xf32> to vector<16xf32>
      %parallel_loop3A_271 = arith.subf %parallel_loop3A_264, %parallel_loop3A_270 : vector<16xf32>
      %parallel_loop3A_272 = arith.mulf %parallel_loop3A_271, %parallel_loop3A_271 : vector<16xf32>
      %parallel_loop3A_273 = arith.addf %parallel_loop3A_237, %parallel_loop3A_272 : vector<16xf32>
      %parallel_loop3A_274 = arith.constant 2 : i32
      %parallel_loop3A_275 = arith.index_cast %parallel_loop3A_274 : i32 to index
      %parallel_loop3A_276 = arith.index_cast %parallel_loop3A_235 : i32 to index
      %parallel_loop3A_277 = arith.constant 32 : index
      %parallel_loop3A_278 = tpu.vector_load %arg8[%parallel_loop3A_275, %parallel_loop3A_276, %parallel_loop3A_277] {strides = array<i32>} : memref<3x128x128xf32, #tpu.memory_space<vmem>>, vector<1x1x16xf32>,
      %parallel_loop3A_279 = vector.shape_cast %parallel_loop3A_278 : vector<1x1x16xf32> to vector<16xf32>
      %parallel_loop3A_280 = arith.constant 2 : i32
      %parallel_loop3A_281 = arith.index_cast %parallel_loop3A_280 : i32 to index
      %parallel_loop3A_282 = arith.index_cast %parallel_loop3A_235 : i32 to index
      %parallel_loop3A_283 = arith.constant 32 : index
      %parallel_loop3A_284 = tpu.vector_load %arg7[%parallel_loop3A_281, %parallel_loop3A_282, %parallel_loop3A_283] {strides = array<i32>} : memref<3x128x128xf32, #tpu.memory_space<vmem>>, vector<1x1x16xf32>,
      %parallel_loop3A_285 = vector.shape_cast %parallel_loop3A_284 : vector<1x1x16xf32> to vector<16xf32>
      %parallel_loop3A_286 = arith.subf %parallel_loop3A_279, %parallel_loop3A_285 : vector<16xf32>
      %parallel_loop3A_287 = arith.mulf %parallel_loop3A_286, %parallel_loop3A_286 : vector<16xf32>
      %parallel_loop3A_288 = arith.addf %parallel_loop3A_238, %parallel_loop3A_287 : vector<16xf32>
      %parallel_loop3A_289 = arith.constant 2 : i32
      %parallel_loop3A_290 = arith.index_cast %parallel_loop3A_289 : i32 to index
      %parallel_loop3A_291 = arith.index_cast %parallel_loop3A_235 : i32 to index
      %parallel_loop3A_292 = arith.constant 48 : index
      %parallel_loop3A_293 = tpu.vector_load %arg8[%parallel_loop3A_290, %parallel_loop3A_291, %parallel_loop3A_292] {strides = array<i32>} : memref<3x128x128xf32, #tpu.memory_space<vmem>>, vector<1x1x16xf32>,
      %parallel_loop3A_294 = vector.shape_cast %parallel_loop3A_293 : vector<1x1x16xf32> to vector<16xf32>
      %parallel_loop3A_295 = arith.constant 2 : i32
      %parallel_loop3A_296 = arith.index_cast %parallel_loop3A_295 : i32 to index
      %parallel_loop3A_297 = arith.index_cast %parallel_loop3A_235 : i32 to index
      %parallel_loop3A_298 = arith.constant 48 : index
      %parallel_loop3A_299 = tpu.vector_load %arg7[%parallel_loop3A_296, %parallel_loop3A_297, %parallel_loop3A_298] {strides = array<i32>} : memref<3x128x128xf32, #tpu.memory_space<vmem>>, vector<1x1x16xf32>,
      %parallel_loop3A_300 = vector.shape_cast %parallel_loop3A_299 : vector<1x1x16xf32> to vector<16xf32>
      %parallel_loop3A_301 = arith.subf %parallel_loop3A_294, %parallel_loop3A_300 : vector<16xf32>
      %parallel_loop3A_302 = arith.mulf %parallel_loop3A_301, %parallel_loop3A_301 : vector<16xf32>
      %parallel_loop3A_303 = arith.addf %parallel_loop3A_239, %parallel_loop3A_302 : vector<16xf32>
      %parallel_loop3A_304 = arith.constant 2 : i32
      %parallel_loop3A_305 = arith.index_cast %parallel_loop3A_304 : i32 to index
      %parallel_loop3A_306 = arith.index_cast %parallel_loop3A_235 : i32 to index
      %parallel_loop3A_307 = arith.constant 64 : index
      %parallel_loop3A_308 = tpu.vector_load %arg8[%parallel_loop3A_305, %parallel_loop3A_306, %parallel_loop3A_307] {strides = array<i32>} : memref<3x128x128xf32, #tpu.memory_space<vmem>>, vector<1x1x16xf32>,
      %parallel_loop3A_309 = vector.shape_cast %parallel_loop3A_308 : vector<1x1x16xf32> to vector<16xf32>
      %parallel_loop3A_310 = arith.constant 2 : i32
      %parallel_loop3A_311 = arith.index_cast %parallel_loop3A_310 : i32 to index
      %parallel_loop3A_312 = arith.index_cast %parallel_loop3A_235 : i32 to index
      %parallel_loop3A_313 = arith.constant 64 : index
      %parallel_loop3A_314 = tpu.vector_load %arg7[%parallel_loop3A_311, %parallel_loop3A_312, %parallel_loop3A_313] {strides = array<i32>} : memref<3x128x128xf32, #tpu.memory_space<vmem>>, vector<1x1x16xf32>,
      %parallel_loop3A_315 = vector.shape_cast %parallel_loop3A_314 : vector<1x1x16xf32> to vector<16xf32>
      %parallel_loop3A_316 = arith.subf %parallel_loop3A_309, %parallel_loop3A_315 : vector<16xf32>
      %parallel_loop3A_317 = arith.mulf %parallel_loop3A_316, %parallel_loop3A_316 : vector<16xf32>
      %parallel_loop3A_318 = arith.addf %parallel_loop3A_240, %parallel_loop3A_317 : vector<16xf32>
      %parallel_loop3A_319 = arith.constant 2 : i32
      %parallel_loop3A_320 = arith.index_cast %parallel_loop3A_319 : i32 to index
      %parallel_loop3A_321 = arith.index_cast %parallel_loop3A_235 : i32 to index
      %parallel_loop3A_322 = arith.constant 80 : index
      %parallel_loop3A_323 = tpu.vector_load %arg8[%parallel_loop3A_320, %parallel_loop3A_321, %parallel_loop3A_322] {strides = array<i32>} : memref<3x128x128xf32, #tpu.memory_space<vmem>>, vector<1x1x16xf32>,
      %parallel_loop3A_324 = vector.shape_cast %parallel_loop3A_323 : vector<1x1x16xf32> to vector<16xf32>
      %parallel_loop3A_325 = arith.constant 2 : i32
      %parallel_loop3A_326 = arith.index_cast %parallel_loop3A_325 : i32 to index
      %parallel_loop3A_327 = arith.index_cast %parallel_loop3A_235 : i32 to index
      %parallel_loop3A_328 = arith.constant 80 : index
      %parallel_loop3A_329 = tpu.vector_load %arg7[%parallel_loop3A_326, %parallel_loop3A_327, %parallel_loop3A_328] {strides = array<i32>} : memref<3x128x128xf32, #tpu.memory_space<vmem>>, vector<1x1x16xf32>,
      %parallel_loop3A_330 = vector.shape_cast %parallel_loop3A_329 : vector<1x1x16xf32> to vector<16xf32>
      %parallel_loop3A_331 = arith.subf %parallel_loop3A_324, %parallel_loop3A_330 : vector<16xf32>
      %parallel_loop3A_332 = arith.mulf %parallel_loop3A_331, %parallel_loop3A_331 : vector<16xf32>
      %parallel_loop3A_333 = arith.addf %parallel_loop3A_241, %parallel_loop3A_332 : vector<16xf32>
      %parallel_loop3A_334 = arith.constant 2 : i32
      %parallel_loop3A_335 = arith.index_cast %parallel_loop3A_334 : i32 to index
      %parallel_loop3A_336 = arith.index_cast %parallel_loop3A_235 : i32 to index
      %parallel_loop3A_337 = arith.constant 96 : index
      %parallel_loop3A_338 = tpu.vector_load %arg8[%parallel_loop3A_335, %parallel_loop3A_336, %parallel_loop3A_337] {strides = array<i32>} : memref<3x128x128xf32, #tpu.memory_space<vmem>>, vector<1x1x16xf32>,
      %parallel_loop3A_339 = vector.shape_cast %parallel_loop3A_338 : vector<1x1x16xf32> to vector<16xf32>
      %parallel_loop3A_340 = arith.constant 2 : i32
      %parallel_loop3A_341 = arith.index_cast %parallel_loop3A_340 : i32 to index
      %parallel_loop3A_342 = arith.index_cast %parallel_loop3A_235 : i32 to index
      %parallel_loop3A_343 = arith.constant 96 : index
      %parallel_loop3A_344 = tpu.vector_load %arg7[%parallel_loop3A_341, %parallel_loop3A_342, %parallel_loop3A_343] {strides = array<i32>} : memref<3x128x128xf32, #tpu.memory_space<vmem>>, vector<1x1x16xf32>,
      %parallel_loop3A_345 = vector.shape_cast %parallel_loop3A_344 : vector<1x1x16xf32> to vector<16xf32>
      %parallel_loop3A_346 = arith.subf %parallel_loop3A_339, %parallel_loop3A_345 : vector<16xf32>
      %parallel_loop3A_347 = arith.mulf %parallel_loop3A_346, %parallel_loop3A_346 : vector<16xf32>
      %parallel_loop3A_348 = arith.addf %parallel_loop3A_242, %parallel_loop3A_347 : vector<16xf32>
      %parallel_loop3A_349 = arith.constant 2 : i32
      %parallel_loop3A_350 = arith.index_cast %parallel_loop3A_349 : i32 to index
      %parallel_loop3A_351 = arith.index_cast %parallel_loop3A_235 : i32 to index
      %parallel_loop3A_352 = arith.constant 112 : index
      %parallel_loop3A_353 = tpu.vector_load %arg8[%parallel_loop3A_350, %parallel_loop3A_351, %parallel_loop3A_352] {strides = array<i32>} : memref<3x128x128xf32, #tpu.memory_space<vmem>>, vector<1x1x16xf32>,
      %parallel_loop3A_354 = vector.shape_cast %parallel_loop3A_353 : vector<1x1x16xf32> to vector<16xf32>
      %parallel_loop3A_355 = arith.constant 2 : i32
      %parallel_loop3A_356 = arith.index_cast %parallel_loop3A_355 : i32 to index
      %parallel_loop3A_357 = arith.index_cast %parallel_loop3A_235 : i32 to index
      %parallel_loop3A_358 = arith.constant 112 : index
      %parallel_loop3A_359 = tpu.vector_load %arg7[%parallel_loop3A_356, %parallel_loop3A_357, %parallel_loop3A_358] {strides = array<i32>} : memref<3x128x128xf32, #tpu.memory_space<vmem>>, vector<1x1x16xf32>,
      %parallel_loop3A_360 = vector.shape_cast %parallel_loop3A_359 : vector<1x1x16xf32> to vector<16xf32>
      %parallel_loop3A_361 = arith.subf %parallel_loop3A_354, %parallel_loop3A_360 : vector<16xf32>
      %parallel_loop3A_362 = arith.mulf %parallel_loop3A_361, %parallel_loop3A_361 : vector<16xf32>
      %parallel_loop3A_363 = arith.addf %parallel_loop3A_243, %parallel_loop3A_362 : vector<16xf32>
      scf.yield %parallel_loop3A_258, %parallel_loop3A_273, %parallel_loop3A_288, %parallel_loop3A_303, %parallel_loop3A_318, %parallel_loop3A_333, %parallel_loop3A_348, %parallel_loop3A_363 : vector<16xf32>, vector<16xf32>, vector<16xf32>, vector<16xf32>, vector<16xf32>, vector<16xf32>, vector<16xf32>, vector<16xf32>
    } {sc.loop_unroll_factor = 4 : i64, sc.parallel_access}
    %dma_wait3A_196 = arith.constant 0 : i32
    %dma_wait3A_197 = arith.constant 0 : i32
    %dma_wait3A_198 = arith.constant 0 : i32
    %dma_wait3A_199 = tpu.memref_slice %arg7[%dma_wait3A_196, %dma_wait3A_197, %dma_wait3A_198] : memref<3x128x128xf32, #tpu.memory_space<vmem>> -> memref<1x128x128xf32, #tpu.memory_space<vmem>>
    %dma_wait3A_200 = tpu.memref_squeeze %dma_wait3A_199 : memref<1x128x128xf32, #tpu.memory_space<vmem>> -> memref<128x128xf32, #tpu.memory_space<vmem>>
    %dma_wait3A_201 = arith.constant 384 : i32
    %dma_wait3A_202 = tpu.memref_slice %arg6[%dma_wait3A_201] : memref<512xi32, #tpu.memory_space<vmem>> -> memref<128xi32, #tpu.memory_space<vmem>>
    %dma_wait3A_203 = arith.constant 0 : i32
    %dma_wait3A_204 = arith.constant 0 : i32
    %dma_wait3A_205 = tpu.memref_slice %arg4[%dma_wait3A_203, %dma_wait3A_204] : memref<100000x128xf32, #tpu.memory_space<hbm>> -> memref<100000x128xf32, #tpu.memory_space<hbm>>
    tpu.wait_indirect_dma semaphore(%arg10 : memref<!tpu.dma_semaphore, #tpu.memory_space<semaphore_mem>>) src(%dma_wait3A_205 : memref<100000x128xf32, #tpu.memory_space<hbm>>) dst(%dma_wait3A_200 : memref<128x128xf32, #tpu.memory_space<vmem>>)
    %dma_wait3A_206 = arith.constant 0 : i32
    %dma_wait3A_207 = arith.constant 0 : i32
    %dma_wait3A_208 = arith.constant 0 : i32
    %dma_wait3A_209 = tpu.memref_slice %arg8[%dma_wait3A_206, %dma_wait3A_207, %dma_wait3A_208] : memref<3x128x128xf32, #tpu.memory_space<vmem>> -> memref<1x128x128xf32, #tpu.memory_space<vmem>>
    %dma_wait3A_210 = tpu.memref_squeeze %dma_wait3A_209 : memref<1x128x128xf32, #tpu.memory_space<vmem>> -> memref<128x128xf32, #tpu.memory_space<vmem>>
    %dma_wait3A_211 = arith.constant 0 : i32
    %dma_wait3A_212 = tpu.memref_slice %arg2[%add3A_128, %dma_wait3A_211] : memref<16384x128xf32, #tpu.memory_space<hbm>> -> memref<128x128xf32, #tpu.memory_space<hbm>>
    %dma_wait3A_213 = arith.constant 0 : i32
    %dma_wait3A_214 = arith.constant 0 : i32
    %dma_wait3A_215 = tpu.memref_slice %arg8[%dma_wait3A_206, %dma_wait3A_213, %dma_wait3A_214] : memref<3x128x128xf32, #tpu.memory_space<vmem>> -> memref<1x128x128xf32, #tpu.memory_space<vmem>>
    %dma_wait3A_216 = tpu.memref_squeeze %dma_wait3A_215 : memref<1x128x128xf32, #tpu.memory_space<vmem>> -> memref<128x128xf32, #tpu.memory_space<vmem>>
    %dma_wait3A_217 = arith.constant 0 : i32
    %dma_wait3A_218 = tpu.memref_slice %arg2[%add3A_128, %dma_wait3A_217] : memref<16384x128xf32, #tpu.memory_space<hbm>> -> memref<128x128xf32, #tpu.memory_space<hbm>>
    tpu.wait_dma2 semaphore(%arg10 : memref<!tpu.dma_semaphore, #tpu.memory_space<semaphore_mem>>) src(%dma_wait3A_218 : memref<128x128xf32, #tpu.memory_space<hbm>>) dst(%dma_wait3A_216 : memref<128x128xf32, #tpu.memory_space<vmem>>)
    %parallel_loop3A_219 = arith.constant 0 : i32
    %parallel_loop3A_220 = arith.constant 128 : i32
    %parallel_loop3A_221 = arith.constant 1 : i32
    %parallel_loop3A_222:8 = scf.for %parallel_loop3A_235 = %parallel_loop3A_219 to %parallel_loop3A_220 step %parallel_loop3A_221 iter_args(%parallel_loop3A_236 = %parallel_loop3A_195#0, %parallel_loop3A_237 = %parallel_loop3A_195#1, %parallel_loop3A_238 = %parallel_loop3A_195#2, %parallel_loop3A_239 = %parallel_loop3A_195#3, %parallel_loop3A_240 = %parallel_loop3A_195#4, %parallel_loop3A_241 = %parallel_loop3A_195#5, %parallel_loop3A_242 = %parallel_loop3A_195#6, %parallel_loop3A_243 = %parallel_loop3A_195#7) -> (vector<16xf32>, vector<16xf32>, vector<16xf32>, vector<16xf32>, vector<16xf32>, vector<16xf32>, vector<16xf32>, vector<16xf32>)  : i32 {
      %parallel_loop3A_244 = arith.constant 0 : i32
      %parallel_loop3A_245 = arith.index_cast %parallel_loop3A_244 : i32 to index
      %parallel_loop3A_246 = arith.index_cast %parallel_loop3A_235 : i32 to index
      %parallel_loop3A_247 = arith.constant 0 : index
      %parallel_loop3A_248 = tpu.vector_load %arg8[%parallel_loop3A_245, %parallel_loop3A_246, %parallel_loop3A_247] {strides = array<i32>} : memref<3x128x128xf32, #tpu.memory_space<vmem>>, vector<1x1x16xf32>,
      %parallel_loop3A_249 = vector.shape_cast %parallel_loop3A_248 : vector<1x1x16xf32> to vector<16xf32>
      %parallel_loop3A_250 = arith.constant 0 : i32
      %parallel_loop3A_251 = arith.index_cast %parallel_loop3A_250 : i32 to index
      %parallel_loop3A_252 = arith.index_cast %parallel_loop3A_235 : i32 to index
      %parallel_loop3A_253 = arith.constant 0 : index
      %parallel_loop3A_254 = tpu.vector_load %arg7[%parallel_loop3A_251, %parallel_loop3A_252, %parallel_loop3A_253] {strides = array<i32>} : memref<3x128x128xf32, #tpu.memory_space<vmem>>, vector<1x1x16xf32>,
      %parallel_loop3A_255 = vector.shape_cast %parallel_loop3A_254 : vector<1x1x16xf32> to vector<16xf32>
      %parallel_loop3A_256 = arith.subf %parallel_loop3A_249, %parallel_loop3A_255 : vector<16xf32>
      %parallel_loop3A_257 = arith.mulf %parallel_loop3A_256, %parallel_loop3A_256 : vector<16xf32>
      %parallel_loop3A_258 = arith.addf %parallel_loop3A_236, %parallel_loop3A_257 : vector<16xf32>
      %parallel_loop3A_259 = arith.constant 0 : i32
      %parallel_loop3A_260 = arith.index_cast %parallel_loop3A_259 : i32 to index
      %parallel_loop3A_261 = arith.index_cast %parallel_loop3A_235 : i32 to index
      %parallel_loop3A_262 = arith.constant 16 : index
      %parallel_loop3A_263 = tpu.vector_load %arg8[%parallel_loop3A_260, %parallel_loop3A_261, %parallel_loop3A_262] {strides = array<i32>} : memref<3x128x128xf32, #tpu.memory_space<vmem>>, vector<1x1x16xf32>,
      %parallel_loop3A_264 = vector.shape_cast %parallel_loop3A_263 : vector<1x1x16xf32> to vector<16xf32>
      %parallel_loop3A_265 = arith.constant 0 : i32
      %parallel_loop3A_266 = arith.index_cast %parallel_loop3A_265 : i32 to index
      %parallel_loop3A_267 = arith.index_cast %parallel_loop3A_235 : i32 to index
      %parallel_loop3A_268 = arith.constant 16 : index
      %parallel_loop3A_269 = tpu.vector_load %arg7[%parallel_loop3A_266, %parallel_loop3A_267, %parallel_loop3A_268] {strides = array<i32>} : memref<3x128x128xf32, #tpu.memory_space<vmem>>, vector<1x1x16xf32>,
      %parallel_loop3A_270 = vector.shape_cast %parallel_loop3A_269 : vector<1x1x16xf32> to vector<16xf32>
      %parallel_loop3A_271 = arith.subf %parallel_loop3A_264, %parallel_loop3A_270 : vector<16xf32>
      %parallel_loop3A_272 = arith.mulf %parallel_loop3A_271, %parallel_loop3A_271 : vector<16xf32>
      %parallel_loop3A_273 = arith.addf %parallel_loop3A_237, %parallel_loop3A_272 : vector<16xf32>
      %parallel_loop3A_274 = arith.constant 0 : i32
      %parallel_loop3A_275 = arith.index_cast %parallel_loop3A_274 : i32 to index
      %parallel_loop3A_276 = arith.index_cast %parallel_loop3A_235 : i32 to index
      %parallel_loop3A_277 = arith.constant 32 : index
      %parallel_loop3A_278 = tpu.vector_load %arg8[%parallel_loop3A_275, %parallel_loop3A_276, %parallel_loop3A_277] {strides = array<i32>} : memref<3x128x128xf32, #tpu.memory_space<vmem>>, vector<1x1x16xf32>,
      %parallel_loop3A_279 = vector.shape_cast %parallel_loop3A_278 : vector<1x1x16xf32> to vector<16xf32>
      %parallel_loop3A_280 = arith.constant 0 : i32
      %parallel_loop3A_281 = arith.index_cast %parallel_loop3A_280 : i32 to index
      %parallel_loop3A_282 = arith.index_cast %parallel_loop3A_235 : i32 to index
      %parallel_loop3A_283 = arith.constant 32 : index
      %parallel_loop3A_284 = tpu.vector_load %arg7[%parallel_loop3A_281, %parallel_loop3A_282, %parallel_loop3A_283] {strides = array<i32>} : memref<3x128x128xf32, #tpu.memory_space<vmem>>, vector<1x1x16xf32>,
      %parallel_loop3A_285 = vector.shape_cast %parallel_loop3A_284 : vector<1x1x16xf32> to vector<16xf32>
      %parallel_loop3A_286 = arith.subf %parallel_loop3A_279, %parallel_loop3A_285 : vector<16xf32>
      %parallel_loop3A_287 = arith.mulf %parallel_loop3A_286, %parallel_loop3A_286 : vector<16xf32>
      %parallel_loop3A_288 = arith.addf %parallel_loop3A_238, %parallel_loop3A_287 : vector<16xf32>
      %parallel_loop3A_289 = arith.constant 0 : i32
      %parallel_loop3A_290 = arith.index_cast %parallel_loop3A_289 : i32 to index
      %parallel_loop3A_291 = arith.index_cast %parallel_loop3A_235 : i32 to index
      %parallel_loop3A_292 = arith.constant 48 : index
      %parallel_loop3A_293 = tpu.vector_load %arg8[%parallel_loop3A_290, %parallel_loop3A_291, %parallel_loop3A_292] {strides = array<i32>} : memref<3x128x128xf32, #tpu.memory_space<vmem>>, vector<1x1x16xf32>,
      %parallel_loop3A_294 = vector.shape_cast %parallel_loop3A_293 : vector<1x1x16xf32> to vector<16xf32>
      %parallel_loop3A_295 = arith.constant 0 : i32
      %parallel_loop3A_296 = arith.index_cast %parallel_loop3A_295 : i32 to index
      %parallel_loop3A_297 = arith.index_cast %parallel_loop3A_235 : i32 to index
      %parallel_loop3A_298 = arith.constant 48 : index
      %parallel_loop3A_299 = tpu.vector_load %arg7[%parallel_loop3A_296, %parallel_loop3A_297, %parallel_loop3A_298] {strides = array<i32>} : memref<3x128x128xf32, #tpu.memory_space<vmem>>, vector<1x1x16xf32>,
      %parallel_loop3A_300 = vector.shape_cast %parallel_loop3A_299 : vector<1x1x16xf32> to vector<16xf32>
      %parallel_loop3A_301 = arith.subf %parallel_loop3A_294, %parallel_loop3A_300 : vector<16xf32>
      %parallel_loop3A_302 = arith.mulf %parallel_loop3A_301, %parallel_loop3A_301 : vector<16xf32>
      %parallel_loop3A_303 = arith.addf %parallel_loop3A_239, %parallel_loop3A_302 : vector<16xf32>
      %parallel_loop3A_304 = arith.constant 0 : i32
      %parallel_loop3A_305 = arith.index_cast %parallel_loop3A_304 : i32 to index
      %parallel_loop3A_306 = arith.index_cast %parallel_loop3A_235 : i32 to index
      %parallel_loop3A_307 = arith.constant 64 : index
      %parallel_loop3A_308 = tpu.vector_load %arg8[%parallel_loop3A_305, %parallel_loop3A_306, %parallel_loop3A_307] {strides = array<i32>} : memref<3x128x128xf32, #tpu.memory_space<vmem>>, vector<1x1x16xf32>,
      %parallel_loop3A_309 = vector.shape_cast %parallel_loop3A_308 : vector<1x1x16xf32> to vector<16xf32>
      %parallel_loop3A_310 = arith.constant 0 : i32
      %parallel_loop3A_311 = arith.index_cast %parallel_loop3A_310 : i32 to index
      %parallel_loop3A_312 = arith.index_cast %parallel_loop3A_235 : i32 to index
      %parallel_loop3A_313 = arith.constant 64 : index
      %parallel_loop3A_314 = tpu.vector_load %arg7[%parallel_loop3A_311, %parallel_loop3A_312, %parallel_loop3A_313] {strides = array<i32>} : memref<3x128x128xf32, #tpu.memory_space<vmem>>, vector<1x1x16xf32>,
      %parallel_loop3A_315 = vector.shape_cast %parallel_loop3A_314 : vector<1x1x16xf32> to vector<16xf32>
      %parallel_loop3A_316 = arith.subf %parallel_loop3A_309, %parallel_loop3A_315 : vector<16xf32>
      %parallel_loop3A_317 = arith.mulf %parallel_loop3A_316, %parallel_loop3A_316 : vector<16xf32>
      %parallel_loop3A_318 = arith.addf %parallel_loop3A_240, %parallel_loop3A_317 : vector<16xf32>
      %parallel_loop3A_319 = arith.constant 0 : i32
      %parallel_loop3A_320 = arith.index_cast %parallel_loop3A_319 : i32 to index
      %parallel_loop3A_321 = arith.index_cast %parallel_loop3A_235 : i32 to index
      %parallel_loop3A_322 = arith.constant 80 : index
      %parallel_loop3A_323 = tpu.vector_load %arg8[%parallel_loop3A_320, %parallel_loop3A_321, %parallel_loop3A_322] {strides = array<i32>} : memref<3x128x128xf32, #tpu.memory_space<vmem>>, vector<1x1x16xf32>,
      %parallel_loop3A_324 = vector.shape_cast %parallel_loop3A_323 : vector<1x1x16xf32> to vector<16xf32>
      %parallel_loop3A_325 = arith.constant 0 : i32
      %parallel_loop3A_326 = arith.index_cast %parallel_loop3A_325 : i32 to index
      %parallel_loop3A_327 = arith.index_cast %parallel_loop3A_235 : i32 to index
      %parallel_loop3A_328 = arith.constant 80 : index
      %parallel_loop3A_329 = tpu.vector_load %arg7[%parallel_loop3A_326, %parallel_loop3A_327, %parallel_loop3A_328] {strides = array<i32>} : memref<3x128x128xf32, #tpu.memory_space<vmem>>, vector<1x1x16xf32>,
      %parallel_loop3A_330 = vector.shape_cast %parallel_loop3A_329 : vector<1x1x16xf32> to vector<16xf32>
      %parallel_loop3A_331 = arith.subf %parallel_loop3A_324, %parallel_loop3A_330 : vector<16xf32>
      %parallel_loop3A_332 = arith.mulf %parallel_loop3A_331, %parallel_loop3A_331 : vector<16xf32>
      %parallel_loop3A_333 = arith.addf %parallel_loop3A_241, %parallel_loop3A_332 : vector<16xf32>
      %parallel_loop3A_334 = arith.constant 0 : i32
      %parallel_loop3A_335 = arith.index_cast %parallel_loop3A_334 : i32 to index
      %parallel_loop3A_336 = arith.index_cast %parallel_loop3A_235 : i32 to index
      %parallel_loop3A_337 = arith.constant 96 : index
      %parallel_loop3A_338 = tpu.vector_load %arg8[%parallel_loop3A_335, %parallel_loop3A_336, %parallel_loop3A_337] {strides = array<i32>} : memref<3x128x128xf32, #tpu.memory_space<vmem>>, vector<1x1x16xf32>,
      %parallel_loop3A_339 = vector.shape_cast %parallel_loop3A_338 : vector<1x1x16xf32> to vector<16xf32>
      %parallel_loop3A_340 = arith.constant 0 : i32
      %parallel_loop3A_341 = arith.index_cast %parallel_loop3A_340 : i32 to index
      %parallel_loop3A_342 = arith.index_cast %parallel_loop3A_235 : i32 to index
      %parallel_loop3A_343 = arith.constant 96 : index
      %parallel_loop3A_344 = tpu.vector_load %arg7[%parallel_loop3A_341, %parallel_loop3A_342, %parallel_loop3A_343] {strides = array<i32>} : memref<3x128x128xf32, #tpu.memory_space<vmem>>, vector<1x1x16xf32>,
      %parallel_loop3A_345 = vector.shape_cast %parallel_loop3A_344 : vector<1x1x16xf32> to vector<16xf32>
      %parallel_loop3A_346 = arith.subf %parallel_loop3A_339, %parallel_loop3A_345 : vector<16xf32>
      %parallel_loop3A_347 = arith.mulf %parallel_loop3A_346, %parallel_loop3A_346 : vector<16xf32>
      %parallel_loop3A_348 = arith.addf %parallel_loop3A_242, %parallel_loop3A_347 : vector<16xf32>
      %parallel_loop3A_349 = arith.constant 0 : i32
      %parallel_loop3A_350 = arith.index_cast %parallel_loop3A_349 : i32 to index
      %parallel_loop3A_351 = arith.index_cast %parallel_loop3A_235 : i32 to index
      %parallel_loop3A_352 = arith.constant 112 : index
      %parallel_loop3A_353 = tpu.vector_load %arg8[%parallel_loop3A_350, %parallel_loop3A_351, %parallel_loop3A_352] {strides = array<i32>} : memref<3x128x128xf32, #tpu.memory_space<vmem>>, vector<1x1x16xf32>,
      %parallel_loop3A_354 = vector.shape_cast %parallel_loop3A_353 : vector<1x1x16xf32> to vector<16xf32>
      %parallel_loop3A_355 = arith.constant 0 : i32
      %parallel_loop3A_356 = arith.index_cast %parallel_loop3A_355 : i32 to index
      %parallel_loop3A_357 = arith.index_cast %parallel_loop3A_235 : i32 to index
      %parallel_loop3A_358 = arith.constant 112 : index
      %parallel_loop3A_359 = tpu.vector_load %arg7[%parallel_loop3A_356, %parallel_loop3A_357, %parallel_loop3A_358] {strides = array<i32>} : memref<3x128x128xf32, #tpu.memory_space<vmem>>, vector<1x1x16xf32>,
      %parallel_loop3A_360 = vector.shape_cast %parallel_loop3A_359 : vector<1x1x16xf32> to vector<16xf32>
      %parallel_loop3A_361 = arith.subf %parallel_loop3A_354, %parallel_loop3A_360 : vector<16xf32>
      %parallel_loop3A_362 = arith.mulf %parallel_loop3A_361, %parallel_loop3A_361 : vector<16xf32>
      %parallel_loop3A_363 = arith.addf %parallel_loop3A_243, %parallel_loop3A_362 : vector<16xf32>
      scf.yield %parallel_loop3A_258, %parallel_loop3A_273, %parallel_loop3A_288, %parallel_loop3A_303, %parallel_loop3A_318, %parallel_loop3A_333, %parallel_loop3A_348, %parallel_loop3A_363 : vector<16xf32>, vector<16xf32>, vector<16xf32>, vector<16xf32>, vector<16xf32>, vector<16xf32>, vector<16xf32>, vector<16xf32>
    } {sc.loop_unroll_factor = 4 : i64, sc.parallel_access}
    %add3A_223 = arith.addf %parallel_loop3A_222#0, %parallel_loop3A_222#1 : vector<16xf32>
    %add3A_224 = arith.addf %add3A_223, %parallel_loop3A_222#2 : vector<16xf32>
    %add3A_225 = arith.addf %add3A_224, %parallel_loop3A_222#3 : vector<16xf32>
    %add3A_226 = arith.addf %add3A_225, %parallel_loop3A_222#4 : vector<16xf32>
    %add3A_227 = arith.addf %add3A_226, %parallel_loop3A_222#5 : vector<16xf32>
    %add3A_228 = arith.addf %add3A_227, %parallel_loop3A_222#6 : vector<16xf32>
    %add3A_229 = arith.addf %add3A_228, %parallel_loop3A_222#7 : vector<16xf32>
    %swap3A = arith.constant 0 : index
    %swap3A_230 = tpu.vector_load %arg9[%swap3A] {strides = array<i32>} : memref<16xf32, #tpu.memory_space<vmem>>, vector<16xf32>,
    %swap3A_231 = vector.shape_cast %swap3A_230 : vector<16xf32> to vector<16xf32>
    %swap3A_232 = vector.shape_cast %add3A_229 : vector<16xf32> to vector<16xf32>
    tpu.vector_store %arg9[%swap3A], %swap3A_232 {strides = array<i32>} : memref<16xf32, #tpu.memory_space<vmem>>, vector<16xf32>,
    %mul3A_233 = arith.constant 16 : i32
    %mul3A_234 = arith.muli %add3A, %mul3A_233 : i32
    "tpu.region"() ({
      %run_scoped3A = tpu.sem_alloc : memref<!tpu.dma_semaphore, #tpu.memory_space<semaphore_mem>>
      %dma_start3A_235 = tpu.memref_slice %arg5[%mul3A_234] : memref<512xf32, #tpu.memory_space<hbm>> -> memref<16xf32, #tpu.memory_space<hbm>>
      %dma_start3A_236 = tpu.memref_slice %arg5[%mul3A_234] : memref<512xf32, #tpu.memory_space<hbm>> -> memref<16xf32, #tpu.memory_space<hbm>>
      tpu.enqueue_dma source(%arg9 : memref<16xf32, #tpu.memory_space<vmem>>) target(%dma_start3A_236 : memref<16xf32, #tpu.memory_space<hbm>>) target_semaphore(%run_scoped3A : memref<!tpu.dma_semaphore, #tpu.memory_space<semaphore_mem>>)
      %dma_wait3A_237 = tpu.memref_slice %arg5[%mul3A_234] : memref<512xf32, #tpu.memory_space<hbm>> -> memref<16xf32, #tpu.memory_space<hbm>>
      %dma_wait3A_238 = tpu.memref_slice %arg5[%mul3A_234] : memref<512xf32, #tpu.memory_space<hbm>> -> memref<16xf32, #tpu.memory_space<hbm>>
      tpu.wait_dma2 semaphore(%run_scoped3A : memref<!tpu.dma_semaphore, #tpu.memory_space<semaphore_mem>>) src(%arg9 : memref<16xf32, #tpu.memory_space<vmem>>) dst(%dma_wait3A_238 : memref<16xf32, #tpu.memory_space<hbm>>)
      tpu.yield
    }) : () -> ()
    return
  }
}

</mosaic_0001>

<sc_bundles>
// kernel: kernel.3.cloned.1.call-start
scs
__scs_entry_jumppad:
0x0: {  	(pc) =	sbr.rel $0x88, $3  }
0x1: {  	(tag) =	ssettag $0x0;
	lr =	simm.s32 $0x1  }
0x2: {  	[smem:$0x3F9E] =	sst lr;
	_ =	strace $0xD0000000  }
0x3: {  	_ = 	snop  }
0x4: {  	_ = 	snop  }
0x5: {  	_ = 	snop  }
0x6: {  	_ = 	snop  }
0x7: {  	_ = 	snop  }
__scs_overlays_trampoline_lowered:
0x8: {  	[smem:$0x3FAD] =	sst s0  }
0x9: {  	[smem:$0x3FAE] =	sst s1  }
0xa: {  	[smem:$0x3FAF] =	sst s2  }
0xb: {  	[smem:$0x3FB0] =	sst s3  }
0xc: {  	[smem:$0x3FB1] =	sst s4  }
0xd: {  	[smem:$0x3FB2] =	sst s5  }
0xe: {  	[smem:$0x3FB3] =	sst s6  }
0xf: {  	[smem:$0x3FB4] =	sst s7  }
0x10: {  	[smem:$0x3FB5] =	sst s8  }
0x11: {  	[smem:$0x3FB6] =	sst s9;
	s0 =	simm.s32 @!p0 $0x0  }
0x12: {  	s1 =	sld [smem:$0x3F9C];
	s0 =	simm.s32 @p0 $0x1  }
0x13: {  	[smem:$0x3FB7] =	sst s0;
	s0 =	simm.s32 @!p1 $0x0  }
0x14: {  	s2 =	sld [smem:$0x3F9B];
	s0 =	simm.s32 @p1 $0x1  }
0x15: {  	[smem:$0x3FB8] =	sst s0;
	s0 =	simm.s32 @!p2 $0x0  }
0x16: {  	s3 =	sld [smem:$0x3FDB];
	s0 =	simm.s32 @p2 $0x1  }
0x17: {  	s4 =	simm.s32 $0x1BF5;
	[smem:$0x3FBA] =	sst s0  }
0x18: {  	s0 =	sld [smem:$0x3F9D];
	_ =	swait.ge [sflag:s4], $0x0  }
0x19: {  	s7 =	sld [smem:$0x3F9E]  }
0x1a: {  	s8 =	sadd.s32 $0xFFFFE003, lr  }
0x1b: {  	s9 =	sadd.s32 $0xFFFFFEF7, lr;
	s5 =	simm.s32 $0xFFFFFFFF;
	p2 =	slt.u32 s8, $0xFFFFF086  }
0x1c: {  	p1 =	slt.u32 s9, $0xF7A;
	s5 =	simm.s32 @!p2 $0x0  }
0x1d: {  	s5 =	simm.s32 @p1 $0x1;
	p0 =	seq.s32 s7, s2  }
0x1e: {  	s7 =	smul.u32 @!p0 $0xF7A, s2;
	p2 =	seq.s32 @!p0 s5, $0x0  }
0x1f: {  	s9 =	smul.u32 $0xF7A, s1;
	s8 =	simm.s32 @!p0 $0x1BF5;
	p2 =	por !p2, p0  }
0x20: {  	[sflag:s8] =	ssyncset.s32 @!p0 $0xFFFFF086;
	s6 =	sadd.s32 @!p0 s3, s7;
	s7 =	simm.s32 @!p0 $0x108  }
0x21: {  	s3 =	sadd.s32 s3, s9;
	s6 =	sadd.s32 @!p0 $0x88, s6;
	s7 =	simm.s32 @p2 $0x1082  }
0x22: {  	[simem:s7], [sflag:s8] =	dma.local @!p0 [hbm:s6], $0xF7A  }
0x23: {  	s9 =	sor.u32 $0xD0000000, s2;
	s6 =	simm.s32 $0x108;
	_ =	swait.ge @!p0 [sflag:s8], $0x0  }
0x24: {  	s3 =	sadd.s32 $0x88, s3;
	s6 =	simm.s32 @!p1 $0x1082;
	[sflag:s4] =	ssyncset.s32 $0xFFFFF086  }
0x25: {  	[simem:s6], [sflag:s4] =	dma.local [hbm:s3], $0xF7A  }
0x26: {  	[smem:$0x3F9E] =	sst s1;
	(tag) =	ssettag s2;
	_ =	strace s9  }
0x27: {  	s1 =	sld [smem:$0x3FAE]  }
0x28: {  	s2 =	sld [smem:$0x3FAF]  }
0x29: {  	s4 =	sld [smem:$0x3FB1]  }
0x2a: {  	p0 =	seq.s32 s5, $0x0;
	s5 =	sld [smem:$0x3FB2]  }
0x2b: {  	s6 =	sld [smem:$0x3FB3]  }
0x2c: {  	s7 =	sld [smem:$0x3FB4]  }
0x2d: {  	s3 =	simm.s32 $0x108;
	s8 =	sld [smem:$0x3FB5]  }
0x2e: {  	s3 =	simm.s32 @!p0 $0x1082;
	s9 =	sld [smem:$0x3FB6]  }
0x2f: {  	lr =	sadd.s32 s0, s3;
	s0 =	sld [smem:$0x3FAD]  }
0x30: {  	s3 =	sld [smem:$0x3FB0]  }
0x31: {  	[smem:$0x3FB9] =	sst s10  }
0x32: {  	s10 =	sld [smem:$0x3FB7];
	_ =	sdelay $0x3  }
0x33: {  	p0 =	seq.s32 s10, $0x1;
	s10 =	sld [smem:$0x3FB9];
	_ =	sdelay $0x3  }
0x34: {  	[smem:$0x3FB9] =	sst s10  }
0x35: {  	s10 =	sld [smem:$0x3FB8];
	_ =	sdelay $0x3  }
0x36: {  	p1 =	seq.s32 s10, $0x1;
	s10 =	sld [smem:$0x3FB9];
	_ =	sdelay $0x3  }
0x37: {  	[smem:$0x3FB9] =	sst s10  }
0x38: {  	s10 =	sld [smem:$0x3FBA]  }
0x39: {  	_ = 	snop;
	(pc) =	sbr.ind lr, $3  }
0x3a: {  	_ = 	snop  }
0x3b: {  	_ = 	snop  }
0x3c: {  	p2 =	seq.s32 s10, $0x1;
	s10 =	sld [smem:$0x3FB9]  }
0x3d: {  	_ =	shalt  }
0x3e: {  	_ =	shalt  }
0x3f: {  	_ =	shalt  }
0x40: {  	_ =	shalt  }
0x41: {  	_ =	shalt  }
0x42: {  	_ =	shalt  }
0x43: {  	_ =	shalt  }
0x44: {  	_ =	shalt  }
0x45: {  	_ =	shalt  }
0x46: {  	_ =	shalt  }
0x47: {  	_ =	shalt  }
0x48: {  	_ =	shalt  }
0x49: {  	_ =	shalt  }
0x4a: {  	_ =	shalt  }
0x4b: {  	_ =	shalt  }
0x4c: {  	_ =	shalt  }
0x4d: {  	_ =	shalt  }
0x4e: {  	_ =	shalt  }
0x4f: {  	_ =	shalt  }
0x50: {  	_ =	shalt  }
0x51: {  	_ =	shalt  }
0x52: {  	_ =	shalt  }
0x53: {  	_ =	shalt  }
0x54: {  	_ =	shalt  }
0x55: {  	_ =	shalt  }
0x56: {  	_ =	shalt  }
0x57: {  	_ =	shalt  }
0x58: {  	_ =	shalt  }
0x59: {  	_ =	shalt  }
0x5a: {  	_ =	shalt  }
0x5b: {  	_ =	shalt  }
0x5c: {  	_ =	shalt  }
0x5d: {  	_ =	shalt  }
0x5e: {  	_ =	shalt  }
0x5f: {  	_ =	shalt  }
0x60: {  	_ =	shalt  }
0x61: {  	_ =	shalt  }
0x62: {  	_ =	shalt  }
0x63: {  	_ =	shalt  }
0x64: {  	_ =	shalt  }
0x65: {  	_ =	shalt  }
0x66: {  	_ =	shalt  }
0x67: {  	_ =	shalt  }
0x68: {  	_ =	shalt  }
0x69: {  	_ =	shalt  }
0x6a: {  	_ =	shalt  }
0x6b: {  	_ =	shalt  }
0x6c: {  	_ =	shalt  }
0x6d: {  	_ =	shalt  }
0x6e: {  	_ =	shalt  }
0x6f: {  	_ =	shalt  }
0x70: {  	_ =	shalt  }
0x71: {  	_ =	shalt  }
0x72: {  	_ =	shalt  }
0x73: {  	_ =	shalt  }
0x74: {  	_ =	shalt  }
0x75: {  	_ =	shalt  }
0x76: {  	_ =	shalt  }
0x77: {  	_ =	shalt  }
0x78: {  	_ =	shalt  }
0x79: {  	_ =	shalt  }
0x7a: {  	_ =	shalt  }
0x7b: {  	_ =	shalt  }
0x7c: {  	_ =	shalt  }
0x7d: {  	_ =	shalt  }
0x7e: {  	_ =	shalt  }
0x7f: {  	_ =	shalt  }
0x80: {  	_ =	shalt  }
0x81: {  	_ =	shalt  }
0x82: {  	_ =	shalt  }
0x83: {  	_ =	shalt  }
0x84: {  	_ =	shalt  }
0x85: {  	_ =	shalt  }
0x86: {  	_ =	shalt  }
0x87: {  	_ =	shalt  }
.Lfunc_end0:
.L_simem_size_0:
called_computation_lowered:
.L_overlay_start_0:
0x88: {  	s2 =	sld [smem:$0x3FD9]  }
0x89: {  	s3 =	sld [smem:$0x3FFE];
	_ =	sdelay $0x1  }
0x8a: {  	s1 =	srdreg.scid  }
0x8b: {  	s0 =	sand.u32 $0x1, s1  }
0x8c: {  	s17 =	sshll.u32 s0, $0xA;
	s2 =	sadd.s32 s3, s2  }
0x8d: {  	s2 =	sadd.s32 s2, s17  }
0x8e: {  	[smem:$0x3FC5] =	sst s2  }
0x8f: {  	_ = 	snop  }
0x90: {  	s2 =	sld [smem:$0x3FC9]  }
0x91: {  	s18 =	sld [smem:$0x3FC8]  }
0x92: {  	s4 =	sld [smem:$0x3FC7];
	(tm) =	ssettm $0x1  }
0x93: {  	s5 =	sld [smem:$0x3FFB];
	_ =	sdelay $0x3  }
0x94: {  	_ =	strace s5  }
0x95: {  	s5 =	sld [smem:$0x3FFC];
	_ =	sdelay $0x3  }
0x96: {  	_ =	strace s5  }
0x97: {  	s5 =	sld [smem:$0x3FFD];
	_ =	sdelay $0x3  }
0x98: {  	_ =	strace s5  }
0x99: {  	_ =	strace $0x8FFFFFFF  }
0x9a: {  	s19 =	sld [smem:$0x3FDB];
	_ =	sdelay $0x1  }
0x9b: {  	s6 =	simm.s32 $_scs_section_size  }
0x9c: {  	s7 =	simm.s32 $_size__tile_overlayer_lowered;
	s8 =	simm.s32 $_tile_overlayer_lowered  }
0x9d: {  	s22 =	simm.s32 $0x1BFF;
	s21 =	sshll.u32 s8, $0x1;
	s5 =	sadd.s32 s6, s19  }
0x9e: {  	s9 =	simm.s32 $0x0;
	s20 =	sshll.u32 s7, $0x1;
	s7 =	sadd.s32 s21, s5  }
0x9f: {  	[timem:s9], [sflag:s22] =	dma.local [hbm:s7], s20  }
0xa0: {  	_ =	swait.ge [sflag:s22], s20  }
0xa1: {  	s6 =	ssub.s32 $0x0, s20;
	[sflag:s22] =	ssyncset.done $0x0  }
0xa2: {  	[sflag:s22] =	ssyncadd.s32 s6;
	_ =	sdelay $0x1  }
0xa3: {  	s23 =	simm.s32 $0x1B8B  }
0xa4: {  	_ =	swait.ge [sflag:s23], $0x1  }
0xa5: {  	[sflag:s23] =	ssyncset.done $0x0  }
0xa6: {  	s25 =	simm.s32 $0x1B8E;
	s24 =	sld [smem:$0x3FFE];
	[sflag:s23] =	ssyncadd.s32 $0xFFFFFFFF  }
0xa7: {  	s26 =	simm.s32 $execute0_lowered;
	[smem:$0x3FD2] =	sst s25  }
0xa8: {  	s7 =	sshll.u32 s26, $0x1;
	_ =	strace $0x80000046;
	[dreg:$0x1] =	wrdreg $0xFFFFFFFF  }
0xa9: {  	s28 =	simm.s32 $_size_execute0_lowered;
	s5 =	sadd.s32 s5, s7;
	[dreg:$0x0] =	wrdreg $0x0  }
0xaa: {  	s7 =	sshll.u32 s28, $0x1;
	[dreg:$0x2] =	wrdreg s5  }
0xab: {  	[dreg:$0x3] =	wrdreg s7  }
0xac: {  	[dreg:$0x4] =	wrdreg $0xC0  }
0xad: {  	_ =	task [dreg:s9], $0x5FFFF  }
0xae: {  	[dreg:$0x1] =	wrdreg $0xFFFFFFFF  }
0xaf: {  	[dreg:$0x0] =	wrdreg $0x60  }
0xb0: {  	[dreg:$0x2] =	wrdreg s2  }
0xb1: {  	[dreg:$0x3] =	wrdreg s18  }
0xb2: {  	[dreg:$0x4] =	wrdreg s4  }
0xb3: {  	[dreg:$0x5] =	wrdreg s24  }
0xb4: {  	[dreg:$0x6] =	wrdreg $0x9  }
0xb5: {  	_ =	task.clear_ibuf [dreg:s9], $0x7FFFF;
	_ =	strace $0x90000046  }
0xb6: {  	s29 =	simm.s32 $0x9;
	_ =	strace $0x80000048  }
0xb7: {  	_ =	swait.ge [sflag:s29], $0x1  }
0xb8: {  	[sflag:s29] =	ssyncadd.s32 $0xFFFFFFFF  }
0xb9: {  	_ =	strace $0x90000048  }
0xba: {  	_ =	sfence  }
0xbb: {  	s30 =	sld [smem:$0x0];
	_ =	sdelay $0x2  }
0xbc: {  	s31 =	sshll.u32 s1, $0xD;
	s1 =	sshrl.u32 s1, $0x2  }
0xbd: {  	s3 =	sand.u32 $0x4000, s31;
	s1 =	sadd.s32 s1, s30  }
0xbe: {  	s0 =	sor.u32 s3, s0;
	s1 =	sshll.u32 s1, $0x11  }
0xbf: {  	s0 =	sor.u32 s1, s0  }
0xc0: {  	s0 =	sadd.s32 $0x8F2B, s0  }
0xc1: {  	[sflag:s0] =	ssyncadd.remote.s32 $0x1  }
0xc2: {  	_ =	sfence.sel $0xFFFF  }
0xc3: {  	[dreg:$0x0] =	wrdreg $0xFFFFFFFF;
	(pc) =	sbr.abs _section_cstart, $3  }
0xc4: {  	[dreg:$0x1] =	wrdreg $0xFFFFFFFF  }
0xc5: {  	_ =	task.clear_ibuf [dreg:s9], $0x2FFFF;
	_ =	strace $0x9FFFFFFF  }
0xc6: {  	(tm) =	ssettm $0x7FFFFFFF  }
0xc7: {  	_ =	shalt  }
tec
execute0_lowered:
.L_overlay_start_1:
0x0: {  	(tag) =	ssettag $0x1  }
0x1: {  	s5 =	rddreg [dreg:$0x0]  }
0x2: {  	s4 =	rddreg [dreg:$0x1]  }
0x3: {  	s1 =	rddreg [dreg:$0x2]  }
0x4: {  	s9 =	rddreg [dreg:$0x3]  }
0x5: {  	s0 =	rddreg [dreg:$0x4]  }
0x6: {  	s3 =	simm.s32 $0x0;
	s6 =	srdreg.scid;
	s2 =	stileid.u32  }
0x7: {  	s13 =	simm.s32 $0x200;
	s14 =	simm.s32 $0xC200;
	s15 =	simm.s32 $0x4200  }
0x8: {  	s16 =	simm.s32 $0x10200;
	s17 =	simm.s32 $0x100;
	s18 =	simm.s32 $0x8200  }
0x9: {  	s19 =	simm.s32 $0x14200;
	s20 =	simm.s32 $0x1;
	s21 =	simm.s32 $0x180  }
0xa: {  	s22 =	simm.s32 $0x2;
	s23 =	simm.s32 $0x3;
	s24 =	simm.s32 $0x18200  }
0xb: {  	s25 =	simm.s32 $0x0;
	s6 =	sand.u32 $0x1, s6;
	s7 =	sshll.u32 s2, $0x1  }
0xc: {  	[smem:$0x7FF] =	sst s3;
	s8 =	ssub.s32 $0x2, s6;
	s10 =	sor.u32 s6, s7  }
0xd: {  	_ =	strace $0x80000047;
	s31 =	sshrl.u32 s8, $0x1;
	s7 =	sshll.u32 s10, $0x6  }
0xe: {  	s11 =	sshll.u32 s10, $0xD;
	s10 =	sshll.u32 s10, $0x1;
	s12 =	ssub.s32 s8, s31  }
0xf: {  	s4 =	sadd.s32 s4, s7;
	s5 =	sadd.s32 s5, s11;
	s9 =	sadd.s32 s9, s10  }
0x10: {  	s11 =	simm.s32 $0x4;
	s6 =	sadd.s32 $0x800, s5;
	s7 =	sadd.s32 $0x1000, s5  }
0x11: {  	s8 =	sadd.s32 $0x1800, s5;
	s10 =	smax.u32 s12, $0x1;
	s12 =	simm.s32 $0x80  }
.LBB2_1:
0x12: {  	[tilespmem:s3], [sflag:$0x4] =	stream.linear.gather [hbm4b:s4+s3], $0x200, $0x38;
	[tilespmem:$0x18280] =	vst v63  }
0x13: {  	_ =	swait.ge [sflag:s11], $0x200  }
0x14: {  	[sflag:s11] =	ssyncset.done $0x0  }
0x15: {  	[sflag:s11] =	ssyncadd.s32 $0xFFFFFE00  }
0x16: {  	[tilespmem:s13], [sflag:$0x1] =	stream.indirect.gather [hbm4b:s1+s12], $0x80, s3, s12, $0xb8;
	[tilespmem:$0x18280] =	vst v63  }
0x17: {  	_ = 	snop  }
0x18: {  	[tilespmem:s14], [sflag:$0x1] =	stream.linear.gather [hbm4b:s5+s3], $0x4000, $0x38;
	[tilespmem:$0x18280] =	vst v63  }
0x19: {  	_ = 	snop  }
0x1a: {  	[tilespmem:s15], [sflag:$0x2] =	stream.indirect.gather [hbm4b:s1+s12], $0x80, s12, s12, $0xb8;
	[tilespmem:$0x18280] =	vst v63  }
0x1b: {  	_ = 	snop  }
0x1c: {  	[tilespmem:s16], [sflag:$0x2] =	stream.linear.gather [hbm4b:s6+s3], $0x4000, $0x38;
	[tilespmem:$0x18280] =	vst v63  }
0x1d: {  	_ = 	snop  }
0x1e: {  	[tilespmem:s18], [sflag:$0x3] =	stream.indirect.gather [hbm4b:s1+s12], $0x80, s17, s12, $0xb8;
	[tilespmem:$0x18280] =	vst v63  }
0x1f: {  	_ = 	snop  }
0x20: {  	[tilespmem:s19], [sflag:$0x3] =	stream.linear.gather [hbm4b:s7+s3], $0x4000, $0x38;
	[tilespmem:$0x18280] =	vst v63  }
0x21: {  	_ =	swait.ge [sflag:s20], $0x4000  }
0x22: {  	[sflag:s20] =	ssyncset.done $0x0  }
0x23: {  	[sflag:s20] =	ssyncadd.s32 $0xFFFFC000  }
0x24: {  	_ =	swait.ge [sflag:s20], $0x4000  }
0x25: {  	[sflag:s20] =	ssyncset.done $0x0  }
0x26: {  	s28 =	simm.s32 $0x0;
	[sflag:s20] =	ssyncadd.s32 $0xFFFFC000  }
0x27: {  	v0 =	vld [tilespmem:s28+$0xC270]  }
0x28: {  	v1 =	vld [tilespmem:s28+$0x270]  }
0x29: {  	v2 =	vld [tilespmem:s28+$0xC200]  }
0x2a: {  	v3 =	vld [tilespmem:s28+$0x200]  }
0x2b: {  	v4 =	vld [tilespmem:s28+$0xC210]  }
0x2c: {  	v5 =	vld [tilespmem:s28+$0x210]  }
0x2d: {  	v6 =	vld [tilespmem:s28+$0xC220]  }
0x2e: {  	v7 =	vld [tilespmem:s28+$0x220]  }
0x2f: {  	v9 =	vld [tilespmem:s28+$0xC230]  }
0x30: {  	v10 =	vld [tilespmem:s28+$0x230];
	_ =	sdelay $0x2  }
0x31: {  	v14 =	vld [tilespmem:s28+$0xC240];
	v0 =	vsub.f32 v0, v1;
	v1 =	vsub.f32 v2, v3  }
0x32: {  	v2 =	vsub.f32 v4, v5;
	v5 =	vld [tilespmem:s28+$0x240];
	v3 =	vsub.f32 v6, v7  }
0x33: {  	v8 =	vld [tilespmem:s28+$0xC250];
	v4 =	vimm.f32 $0.0e+00;
	v6 =	vsub.f32 v9, v10;
	v0 =	vmul.f32 v0, v0  }
0x34: {  	v11 =	vld [tilespmem:s28+$0x250];
	v7 =	vimm.f32 $0.0e+00;
	v1 =	vmul.f32 v1, v1;
	v2 =	vmul.f32 v2, v2  }
0x35: {  	v12 =	vld [tilespmem:s28+$0x260];
	v3 =	vmul.f32 v3, v3;
	v13 =	vmul.f32 v6, v6;
	v0 =	vadd.f32 v0, v4  }
0x36: {  	s26 =	simm.s32 $0x80;
	v9 =	vld [tilespmem:s28+$0xC260];
	v6 =	vimm.f32 $0.0e+00;
	v1 =	vadd.f32 v1, v4;
	v2 =	vadd.f32 v2, v4  }
0x37: {  	v10 =	vld [tilespmem:s26+$0xC270];
	s28 =	simm.s32 $0x400;
	v3 =	vadd.f32 v3, v4;
	v14 =	vsub.f32 v14, v5;
	v5 =	vimm.f32 $0.0e+00  }
.LBB2_2:
0x38: {  	p0 =	sne.s32 s28, $0xFE00;
	v15 =	vld [tilespmem:s26+$0x270]  }
0x39: {  	v16 =	vld [tilespmem:s26+$0xC200];
	v4 =	vadd.f32 v13, v4;
	v13 =	vmul.f32 v14, v14;
	v8 =	vsub.f32 v8, v11  }
0x3a: {  	v11 =	vld [tilespmem:s26+$0x200]  }
0x3b: {  	v14 =	vld [tilespmem:s26+$0xC210];
	v7 =	vadd.f32 v13, v7;
	v8 =	vmul.f32 v8, v8;
	v9 =	vsub.f32 v9, v12  }
0x3c: {  	v12 =	vld [tilespmem:s26+$0x210]  }
0x3d: {  	v13 =	vld [tilespmem:s26+$0xC220];
	v10 =	vsub.f32 v10, v15;
	v6 =	vadd.f32 v8, v6;
	v8 =	vmul.f32 v9, v9  }
0x3e: {  	v9 =	vld [tilespmem:s26+$0x220]  }
0x3f: {  	v11 =	vsub.f32 v16, v11;
	v15 =	vld [tilespmem:s26+$0xC230];
	v10 =	vmul.f32 v10, v10;
	v5 =	vadd.f32 v8, v5  }
0x40: {  	v16 =	vld [tilespmem:s26+$0x230]  }
0x41: {  	v8 =	vmul.f32 v11, v11;
	v11 =	vsub.f32 v14, v12;
	v14 =	vld [tilespmem:s26+$0xC240];
	v0 =	vadd.f32 v10, v0  }
0x42: {  	v17 =	vld [tilespmem:s26+$0x240]  }
.Ltmp0:
0x43: {  	v1 =	vadd.f32 v8, v1;
	v10 =	vmul.f32 v11, v11;
	v9 =	vsub.f32 v13, v9;
	v8 =	vld [tilespmem:s26+$0xC250];
	(pc) =	sbr.rel @p0 .LBB2_2-.Ltmp0, $4  }
0x44: {  	v11 =	vld [tilespmem:s26+$0x250]  }
0x45: {  	v2 =	vadd.f32 v10, v2;
	v13 =	vmul.f32 v9, v9;
	v15 =	vsub.f32 v15, v16;
	v9 =	vld [tilespmem:s26+$0xC260]  }
0x46: {  	v12 =	vld [tilespmem:s26+$0x260];
	s26 =	sshra.s32 s28, $0x2  }
0x47: {  	s28 =	sadd.s32 $0x200, s28;
	v10 =	vld [tilespmem:s26+$0xC270];
	v3 =	vadd.f32 v13, v3;
	v13 =	vmul.f32 v15, v15;
	v14 =	vsub.f32 v14, v17  }
0x48: {  	v15 =	vld [tilespmem:s26+$0x270]  }
0x49: {  	v16 =	vld [tilespmem:s26+$0xC200]  }
0x4a: {  	v17 =	vld [tilespmem:s26+$0x200]  }
0x4b: {  	v18 =	vld [tilespmem:s26+$0xC210]  }
0x4c: {  	v19 =	vld [tilespmem:s26+$0x210]  }
0x4d: {  	v20 =	vld [tilespmem:s26+$0xC220]  }
0x4e: {  	v21 =	vld [tilespmem:s26+$0x220]  }
0x4f: {  	v22 =	vld [tilespmem:s26+$0xC230]  }
0x50: {  	v23 =	vld [tilespmem:s26+$0x230]  }
0x51: {  	v24 =	vld [tilespmem:s26+$0xC240]  }
0x52: {  	v25 =	vld [tilespmem:s26+$0x240]  }
0x53: {  	v26 =	vld [tilespmem:s26+$0xC250]  }
0x54: {  	v27 =	vld [tilespmem:s26+$0x250]  }
0x55: {  	v28 =	vld [tilespmem:s26+$0xC260]  }
0x56: {  	v29 =	vld [tilespmem:s26+$0x260];
	[tilespmem:s13], [sflag:$0x1] =	stream.indirect.gather [hbm4b:s1+s12], $0x80, s21, s12, $0xb8  }
0x57: {  	s31 =	simm.s32 $0x0  }
0x58: {  	[tilespmem:s14], [sflag:$0x1] =	stream.linear.gather [hbm4b:s8+s31], $0x4000, $0x38;
	[tilespmem:$0x18280] =	vst v63  }
0x59: {  	_ =	swait.ge [sflag:s22], $0x4000  }
0x5a: {  	[sflag:s22] =	ssyncset.done $0x0  }
0x5b: {  	[sflag:s22] =	ssyncadd.s32 $0xFFFFC000  }
0x5c: {  	_ =	swait.ge [sflag:s22], $0x4000  }
0x5d: {  	v8 =	vsub.f32 v8, v11;
	[sflag:s22] =	ssyncset.done $0x0  }
0x5e: {  	s28 =	simm.s32 $0x0;
	v11 =	vmul.f32 v14, v14;
	[sflag:s22] =	ssyncadd.s32 $0xFFFFC000  }
0x5f: {  	v8 =	vmul.f32 v8, v8;
	v9 =	vsub.f32 v9, v12;
	v12 =	vld [tilespmem:s28+$0x10270]  }
0x60: {  	v4 =	vadd.f32 v13, v4;
	v7 =	vadd.f32 v11, v7;
	v11 =	vld [tilespmem:s28+$0x4270]  }
0x61: {  	v10 =	vsub.f32 v10, v15;
	v6 =	vadd.f32 v8, v6;
	v8 =	vmul.f32 v9, v9;
	v9 =	vld [tilespmem:s28+$0x10200]  }
0x62: {  	v13 =	vsub.f32 v16, v17;
	v14 =	vsub.f32 v18, v19;
	v15 =	vld [tilespmem:s28+$0x4200]  }
0x63: {  	v5 =	vadd.f32 v8, v5;
	v8 =	vmul.f32 v10, v10;
	v10 =	vsub.f32 v20, v21;
	v54 =	vld [tilespmem:s28+$0x10210]  }
0x64: {  	v55 =	vsub.f32 v22, v23;
	v13 =	vmul.f32 v13, v13;
	v14 =	vmul.f32 v14, v14;
	v56 =	vld [tilespmem:s28+$0x4210]  }
0x65: {  	v57 =	vadd.f32 v8, v0;
	v0 =	vmul.f32 v10, v10;
	v8 =	vsub.f32 v24, v25;
	v10 =	vld [tilespmem:s28+$0x10220]  }
0x66: {  	v13 =	vadd.f32 v13, v1;
	v14 =	vadd.f32 v14, v2;
	v1 =	vmul.f32 v55, v55;
	v2 =	vld [tilespmem:s28+$0x4220]  }
0x67: {  	v59 =	vld [tilespmem:s28+$0x10230];
	v58 =	vadd.f32 v0, v3;
	v3 =	vmul.f32 v8, v8;
	v8 =	vsub.f32 v26, v27  }
0x68: {  	v60 =	vld [tilespmem:s28+$0x4230];
	v0 =	vadd.f32 v1, v4;
	v1 =	vsub.f32 v28, v29  }
0x69: {  	v61 =	vld [tilespmem:s28+$0x10240];
	v4 =	vadd.f32 v3, v7;
	v3 =	vmul.f32 v8, v8;
	v8 =	vsub.f32 v12, v11  }
0x6a: {  	v1 =	vmul.f32 v1, v1;
	v9 =	vsub.f32 v9, v15;
	v11 =	vsub.f32 v54, v56;
	v15 =	vld [tilespmem:s28+$0x4240]  }
0x6b: {  	v2 =	vsub.f32 v10, v2;
	v7 =	vadd.f32 v3, v6;
	v3 =	vmul.f32 v8, v8;
	v8 =	vld [tilespmem:s28+$0x10250]  }
0x6c: {  	v6 =	vadd.f32 v1, v5;
	v5 =	vmul.f32 v9, v9;
	v10 =	vmul.f32 v11, v11;
	v11 =	vld [tilespmem:s28+$0x4250]  }
0x6d: {  	v63 =	vsub.f32 v59, v60;
	v12 =	vld [tilespmem:s28+$0x4260];
	v62 =	vmul.f32 v2, v2;
	v1 =	vadd.f32 v3, v57  }
0x6e: {  	s26 =	simm.s32 $0x80;
	v9 =	vld [tilespmem:s28+$0x10260];
	v2 =	vadd.f32 v5, v13;
	v3 =	vadd.f32 v10, v14  }
0x6f: {  	s28 =	simm.s32 $0x400;
	v10 =	vld [tilespmem:s26+$0x10270];
	v5 =	vadd.f32 v62, v58;
	v13 =	vmul.f32 v63, v63;
	v14 =	vsub.f32 v61, v15  }
.LBB2_4:
0x70: {  	p0 =	sne.s32 s28, $0xFE00;
	v15 =	vld [tilespmem:s26+$0x4270]  }
0x71: {  	v16 =	vld [tilespmem:s26+$0x10200];
	v0 =	vadd.f32 v13, v0;
	v13 =	vmul.f32 v14, v14;
	v8 =	vsub.f32 v8, v11  }
0x72: {  	v11 =	vld [tilespmem:s26+$0x4200]  }
0x73: {  	v14 =	vld [tilespmem:s26+$0x10210];
	v4 =	vadd.f32 v13, v4;
	v8 =	vmul.f32 v8, v8;
	v9 =	vsub.f32 v9, v12  }
0x74: {  	v12 =	vld [tilespmem:s26+$0x4210]  }
0x75: {  	v13 =	vld [tilespmem:s26+$0x10220];
	v10 =	vsub.f32 v10, v15;
	v7 =	vadd.f32 v8, v7;
	v8 =	vmul.f32 v9, v9  }
0x76: {  	v9 =	vld [tilespmem:s26+$0x4220]  }
0x77: {  	v11 =	vsub.f32 v16, v11;
	v15 =	vld [tilespmem:s26+$0x10230];
	v10 =	vmul.f32 v10, v10;
	v6 =	vadd.f32 v8, v6  }
0x78: {  	v16 =	vld [tilespmem:s26+$0x4230]  }
0x79: {  	v8 =	vmul.f32 v11, v11;
	v11 =	vsub.f32 v14, v12;
	v14 =	vld [tilespmem:s26+$0x10240];
	v1 =	vadd.f32 v10, v1  }
0x7a: {  	v17 =	vld [tilespmem:s26+$0x4240]  }
.Ltmp1:
0x7b: {  	v2 =	vadd.f32 v8, v2;
	v10 =	vmul.f32 v11, v11;
	v9 =	vsub.f32 v13, v9;
	v8 =	vld [tilespmem:s26+$0x10250];
	(pc) =	sbr.rel @p0 .LBB2_4-.Ltmp1, $4  }
0x7c: {  	v11 =	vld [tilespmem:s26+$0x4250]  }
0x7d: {  	v3 =	vadd.f32 v10, v3;
	v13 =	vmul.f32 v9, v9;
	v15 =	vsub.f32 v15, v16;
	v9 =	vld [tilespmem:s26+$0x10260]  }
0x7e: {  	v12 =	vld [tilespmem:s26+$0x4260];
	s26 =	sshra.s32 s28, $0x2  }
0x7f: {  	s28 =	sadd.s32 $0x200, s28;
	v10 =	vld [tilespmem:s26+$0x10270];
	v5 =	vadd.f32 v13, v5;
	v13 =	vmul.f32 v15, v15;
	v14 =	vsub.f32 v14, v17  }
0x80: {  	v15 =	vld [tilespmem:s26+$0x4270]  }
0x81: {  	v16 =	vld [tilespmem:s26+$0x10200]  }
0x82: {  	v17 =	vld [tilespmem:s26+$0x4200]  }
0x83: {  	v18 =	vld [tilespmem:s26+$0x10210]  }
0x84: {  	v19 =	vld [tilespmem:s26+$0x4210]  }
0x85: {  	v20 =	vld [tilespmem:s26+$0x10220]  }
0x86: {  	v21 =	vld [tilespmem:s26+$0x4220]  }
0x87: {  	v22 =	vld [tilespmem:s26+$0x10230]  }
0x88: {  	v23 =	vld [tilespmem:s26+$0x4230]  }
0x89: {  	v24 =	vld [tilespmem:s26+$0x10240]  }
0x8a: {  	v25 =	vld [tilespmem:s26+$0x4240]  }
0x8b: {  	v26 =	vld [tilespmem:s26+$0x10250]  }
0x8c: {  	v27 =	vld [tilespmem:s26+$0x4250]  }
0x8d: {  	v28 =	vld [tilespmem:s26+$0x10260]  }
0x8e: {  	v29 =	vld [tilespmem:s26+$0x4260];
	_ =	swait.ge [sflag:s23], $0x4000  }
0x8f: {  	[sflag:s23] =	ssyncset.done $0x0  }
0x90: {  	[sflag:s23] =	ssyncadd.s32 $0xFFFFC000  }
0x91: {  	_ =	swait.ge [sflag:s23], $0x4000  }
0x92: {  	v8 =	vsub.f32 v8, v11;
	[sflag:s23] =	ssyncset.done $0x0  }
0x93: {  	s28 =	simm.s32 $0x0;
	v11 =	vmul.f32 v14, v14;
	[sflag:s23] =	ssyncadd.s32 $0xFFFFC000  }
0x94: {  	v8 =	vmul.f32 v8, v8;
	v9 =	vsub.f32 v9, v12;
	v12 =	vld [tilespmem:s28+$0x14270]  }
0x95: {  	v4 =	vadd.f32 v11, v4;
	v11 =	vld [tilespmem:s28+$0x8270]  }
0x96: {  	v7 =	vadd.f32 v8, v7;
	v8 =	vmul.f32 v9, v9;
	v9 =	vld [tilespmem:s28+$0x14200]  }
0x97: {  	v0 =	vadd.f32 v13, v0;
	v10 =	vsub.f32 v10, v15;
	v15 =	vld [tilespmem:s28+$0x8200]  }
0x98: {  	v13 =	vsub.f32 v16, v17;
	v14 =	vsub.f32 v18, v19;
	v56 =	vld [tilespmem:s28+$0x14210]  }
0x99: {  	v58 =	vld [tilespmem:s28+$0x8210];
	v6 =	vadd.f32 v8, v6;
	v8 =	vmul.f32 v10, v10;
	v10 =	vsub.f32 v20, v21  }
0x9a: {  	v57 =	vsub.f32 v22, v23;
	v59 =	vld [tilespmem:s28+$0x14220];
	v13 =	vmul.f32 v13, v13;
	v14 =	vmul.f32 v14, v14  }
0x9b: {  	v60 =	vld [tilespmem:s28+$0x14230];
	v1 =	vadd.f32 v8, v1;
	v8 =	vmul.f32 v10, v10;
	v10 =	vsub.f32 v24, v25  }
0x9c: {  	v2 =	vadd.f32 v13, v2;
	v3 =	vadd.f32 v14, v3;
	v13 =	vmul.f32 v57, v57;
	v14 =	vld [tilespmem:s28+$0x8220]  }
0x9d: {  	v61 =	vld [tilespmem:s28+$0x8230];
	v5 =	vadd.f32 v8, v5;
	v8 =	vmul.f32 v10, v10;
	v10 =	vsub.f32 v26, v27  }
0x9e: {  	v62 =	vld [tilespmem:s28+$0x14240];
	v0 =	vadd.f32 v13, v0;
	v13 =	vsub.f32 v28, v29  }
0x9f: {  	v9 =	vsub.f32 v9, v15;
	v15 =	vld [tilespmem:s28+$0x8240];
	v4 =	vadd.f32 v8, v4;
	v8 =	vmul.f32 v10, v10  }
0xa0: {  	v10 =	vsub.f32 v12, v11;
	v11 =	vmul.f32 v13, v13;
	v12 =	vsub.f32 v56, v58  }
0xa1: {  	v13 =	vsub.f32 v59, v14;
	v14 =	vmul.f32 v9, v9;
	v7 =	vadd.f32 v8, v7;
	v8 =	vld [tilespmem:s28+$0x14250]  }
0xa2: {  	v63 =	vsub.f32 v60, v61;
	v6 =	vadd.f32 v11, v6;
	v12 =	vmul.f32 v12, v12;
	v11 =	vld [tilespmem:s28+$0x8250]  }
0xa3: {  	v9 =	vld [tilespmem:s28+$0x14260];
	v10 =	vmul.f32 v10, v10;
	v13 =	vmul.f32 v13, v13;
	v2 =	vadd.f32 v14, v2  }
0xa4: {  	s26 =	simm.s32 $0x80;
	v14 =	vsub.f32 v62, v15;
	v3 =	vadd.f32 v12, v3;
	v12 =	vld [tilespmem:s28+$0x8260]  }
0xa5: {  	v1 =	vadd.f32 v10, v1;
	v10 =	vld [tilespmem:s26+$0x14270];
	s28 =	simm.s32 $0x400;
	v5 =	vadd.f32 v13, v5;
	v13 =	vmul.f32 v63, v63  }
.LBB2_6:
0xa6: {  	p0 =	sne.s32 s28, $0xFE00;
	v15 =	vld [tilespmem:s26+$0x8270]  }
0xa7: {  	v16 =	vld [tilespmem:s26+$0x14200];
	v0 =	vadd.f32 v13, v0;
	v13 =	vmul.f32 v14, v14;
	v8 =	vsub.f32 v8, v11  }
0xa8: {  	v11 =	vld [tilespmem:s26+$0x8200]  }
0xa9: {  	v14 =	vld [tilespmem:s26+$0x14210];
	v4 =	vadd.f32 v13, v4;
	v8 =	vmul.f32 v8, v8;
	v9 =	vsub.f32 v9, v12  }
0xaa: {  	v12 =	vld [tilespmem:s26+$0x8210]  }
0xab: {  	v13 =	vld [tilespmem:s26+$0x14220];
	v10 =	vsub.f32 v10, v15;
	v7 =	vadd.f32 v8, v7;
	v8 =	vmul.f32 v9, v9  }
0xac: {  	v9 =	vld [tilespmem:s26+$0x8220]  }
0xad: {  	v11 =	vsub.f32 v16, v11;
	v15 =	vld [tilespmem:s26+$0x14230];
	v10 =	vmul.f32 v10, v10;
	v6 =	vadd.f32 v8, v6  }
0xae: {  	v16 =	vld [tilespmem:s26+$0x8230]  }
0xaf: {  	v8 =	vmul.f32 v11, v11;
	v11 =	vsub.f32 v14, v12;
	v14 =	vld [tilespmem:s26+$0x14240];
	v1 =	vadd.f32 v10, v1  }
0xb0: {  	v17 =	vld [tilespmem:s26+$0x8240]  }
.Ltmp2:
0xb1: {  	v2 =	vadd.f32 v8, v2;
	v10 =	vmul.f32 v11, v11;
	v9 =	vsub.f32 v13, v9;
	v8 =	vld [tilespmem:s26+$0x14250];
	(pc) =	sbr.rel @p0 .LBB2_6-.Ltmp2, $4  }
0xb2: {  	v11 =	vld [tilespmem:s26+$0x8250]  }
0xb3: {  	v3 =	vadd.f32 v10, v3;
	v13 =	vmul.f32 v9, v9;
	v15 =	vsub.f32 v15, v16;
	v9 =	vld [tilespmem:s26+$0x14260]  }
0xb4: {  	v12 =	vld [tilespmem:s26+$0x8260];
	s26 =	sshra.s32 s28, $0x2  }
0xb5: {  	s28 =	sadd.s32 $0x200, s28;
	v10 =	vld [tilespmem:s26+$0x14270];
	v5 =	vadd.f32 v13, v5;
	v13 =	vmul.f32 v15, v15;
	v14 =	vsub.f32 v14, v17  }
0xb6: {  	v15 =	vld [tilespmem:s26+$0x8270]  }
0xb7: {  	v16 =	vld [tilespmem:s26+$0x14200]  }
0xb8: {  	v17 =	vld [tilespmem:s26+$0x8200]  }
0xb9: {  	v18 =	vld [tilespmem:s26+$0x14210]  }
0xba: {  	v19 =	vld [tilespmem:s26+$0x8210]  }
0xbb: {  	v20 =	vld [tilespmem:s26+$0x14220]  }
0xbc: {  	v21 =	vld [tilespmem:s26+$0x8220]  }
0xbd: {  	v22 =	vld [tilespmem:s26+$0x14230]  }
0xbe: {  	v23 =	vld [tilespmem:s26+$0x8230]  }
0xbf: {  	v24 =	vld [tilespmem:s26+$0x14240]  }
0xc0: {  	v25 =	vld [tilespmem:s26+$0x8240]  }
0xc1: {  	v26 =	vld [tilespmem:s26+$0x14250]  }
0xc2: {  	v27 =	vld [tilespmem:s26+$0x8250]  }
0xc3: {  	v28 =	vld [tilespmem:s26+$0x14260]  }
0xc4: {  	v29 =	vld [tilespmem:s26+$0x8260];
	_ =	swait.ge [sflag:s20], $0x4000  }
0xc5: {  	[sflag:s20] =	ssyncset.done $0x0  }
0xc6: {  	[sflag:s20] =	ssyncadd.s32 $0xFFFFC000  }
0xc7: {  	v8 =	vsub.f32 v8, v11;
	_ =	swait.ge [sflag:s20], $0x4000  }
0xc8: {  	v11 =	vmul.f32 v14, v14;
	[sflag:s20] =	ssyncset.done $0x0  }
0xc9: {  	s28 =	simm.s32 $0x0;
	v8 =	vmul.f32 v8, v8;
	v9 =	vsub.f32 v9, v12;
	[sflag:s20] =	ssyncadd.s32 $0xFFFFC000  }
0xca: {  	v0 =	vadd.f32 v13, v0;
	v11 =	vadd.f32 v11, v4;
	v12 =	vld [tilespmem:s28+$0xC270]  }
0xcb: {  	v4 =	vsub.f32 v10, v15;
	v7 =	vadd.f32 v8, v7;
	v8 =	vmul.f32 v9, v9;
	v13 =	vld [tilespmem:s28+$0x270]  }
0xcc: {  	v10 =	vsub.f32 v16, v17;
	v14 =	vsub.f32 v18, v19;
	v9 =	vld [tilespmem:s28+$0xC200]  }
0xcd: {  	v15 =	vld [tilespmem:s28+$0x200];
	v6 =	vadd.f32 v8, v6;
	v4 =	vmul.f32 v4, v4;
	v8 =	vsub.f32 v20, v21  }
0xce: {  	v55 =	vsub.f32 v22, v23;
	v54 =	vld [tilespmem:s28+$0xC210];
	v10 =	vmul.f32 v10, v10  }
0xcf: {  	v56 =	vld [tilespmem:s28+$0x210];
	v14 =	vmul.f32 v14, v14;
	v57 =	vadd.f32 v4, v1;
	v1 =	vmul.f32 v8, v8  }
0xd0: {  	v4 =	vsub.f32 v24, v25;
	v8 =	vld [tilespmem:s28+$0xC220];
	v58 =	vadd.f32 v10, v2;
	v2 =	vmul.f32 v55, v55  }
0xd1: {  	v59 =	vsub.f32 v26, v27;
	v14 =	vadd.f32 v14, v3;
	v10 =	vld [tilespmem:s28+$0x220]  }
0xd2: {  	v60 =	vld [tilespmem:s28+$0xC230];
	v5 =	vadd.f32 v1, v5;
	v1 =	vmul.f32 v4, v4;
	v4 =	vadd.f32 v2, v0  }
0xd3: {  	v61 =	vld [tilespmem:s28+$0x230];
	v0 =	vsub.f32 v28, v29;
	v9 =	vsub.f32 v9, v15  }
0xd4: {  	v15 =	vld [tilespmem:s28+$0x240];
	v3 =	vadd.f32 v1, v11;
	v1 =	vmul.f32 v59, v59;
	v11 =	vsub.f32 v12, v13  }
0xd5: {  	v13 =	vld [tilespmem:s28+$0xC240];
	v0 =	vmul.f32 v0, v0;
	v12 =	vsub.f32 v54, v56  }
0xd6: {  	v8 =	vsub.f32 v8, v10;
	v10 =	vld [tilespmem:s28+$0xC250];
	v2 =	vadd.f32 v1, v7;
	v7 =	vmul.f32 v11, v11  }
0xd7: {  	v1 =	vadd.f32 v0, v6;
	v6 =	vmul.f32 v9, v9;
	v11 =	vmul.f32 v12, v12;
	v12 =	vld [tilespmem:s28+$0x250]  }
0xd8: {  	v63 =	vsub.f32 v60, v61;
	v9 =	vld [tilespmem:s28+$0xC260];
	v62 =	vmul.f32 v8, v8;
	v0 =	vadd.f32 v7, v57  }
0xd9: {  	s26 =	simm.s32 $0x80;
	v6 =	vadd.f32 v6, v58;
	v7 =	vadd.f32 v11, v14;
	v11 =	vld [tilespmem:s28+$0x260]  }
0xda: {  	v8 =	vld [tilespmem:s26+$0xC270];
	s28 =	simm.s32 $0x400;
	v14 =	vmul.f32 v63, v63;
	v5 =	vadd.f32 v62, v5;
	v13 =	vsub.f32 v13, v15  }
.LBB2_8:
0xdb: {  	p0 =	sne.s32 s28, $0xFE00;
	v15 =	vld [tilespmem:s26+$0x270]  }
0xdc: {  	v16 =	vld [tilespmem:s26+$0xC200];
	v4 =	vadd.f32 v14, v4;
	v13 =	vmul.f32 v13, v13;
	v10 =	vsub.f32 v10, v12  }
0xdd: {  	v12 =	vld [tilespmem:s26+$0x200]  }
0xde: {  	v14 =	vld [tilespmem:s26+$0xC210];
	v3 =	vadd.f32 v13, v3;
	v10 =	vmul.f32 v10, v10;
	v9 =	vsub.f32 v9, v11  }
0xdf: {  	v11 =	vld [tilespmem:s26+$0x210]  }
0xe0: {  	v13 =	vld [tilespmem:s26+$0xC220];
	v8 =	vsub.f32 v8, v15;
	v2 =	vadd.f32 v10, v2;
	v9 =	vmul.f32 v9, v9  }
0xe1: {  	v10 =	vld [tilespmem:s26+$0x220]  }
0xe2: {  	v12 =	vsub.f32 v16, v12;
	v15 =	vld [tilespmem:s26+$0xC230];
	v8 =	vmul.f32 v8, v8;
	v1 =	vadd.f32 v9, v1  }
0xe3: {  	v9 =	vld [tilespmem:s26+$0x230]  }
0xe4: {  	v12 =	vmul.f32 v12, v12;
	v11 =	vsub.f32 v14, v11;
	v16 =	vld [tilespmem:s26+$0xC240];
	v0 =	vadd.f32 v8, v0  }
0xe5: {  	v17 =	vld [tilespmem:s26+$0x240]  }
.Ltmp3:
0xe6: {  	v6 =	vadd.f32 v12, v6;
	v8 =	vmul.f32 v11, v11;
	v11 =	vsub.f32 v13, v10;
	v10 =	vld [tilespmem:s26+$0xC250];
	(pc) =	sbr.rel @p0 .LBB2_8-.Ltmp3, $4  }
0xe7: {  	v12 =	vld [tilespmem:s26+$0x250]  }
0xe8: {  	v7 =	vadd.f32 v8, v7;
	v13 =	vmul.f32 v11, v11;
	v14 =	vsub.f32 v15, v9;
	v9 =	vld [tilespmem:s26+$0xC260]  }
0xe9: {  	v11 =	vld [tilespmem:s26+$0x260];
	s26 =	sshra.s32 s28, $0x2  }
0xea: {  	s28 =	sadd.s32 $0x200, s28;
	v8 =	vld [tilespmem:s26+$0xC270];
	v5 =	vadd.f32 v13, v5;
	v14 =	vmul.f32 v14, v14;
	v13 =	vsub.f32 v16, v17  }
0xeb: {  	v15 =	vld [tilespmem:s26+$0xC200]  }
0xec: {  	v16 =	vld [tilespmem:s26+$0x200]  }
0xed: {  	v17 =	vld [tilespmem:s26+$0xC210]  }
0xee: {  	v18 =	vld [tilespmem:s26+$0x210]  }
0xef: {  	v19 =	vld [tilespmem:s26+$0xC220]  }
0xf0: {  	v20 =	vld [tilespmem:s26+$0x220]  }
0xf1: {  	v21 =	vld [tilespmem:s26+$0xC230]  }
0xf2: {  	v22 =	vld [tilespmem:s26+$0x230]  }
0xf3: {  	v23 =	vld [tilespmem:s26+$0xC240]  }
0xf4: {  	v44 =	vld [tilespmem:s26+$0x240];
	v15 =	vsub.f32 v15, v16;
	v43 =	vsub.f32 v17, v18  }
0xf5: {  	v49 =	vld [tilespmem:s26+$0xC250];
	v4 =	vadd.f32 v14, v4  }
0xf6: {  	v51 =	vld [tilespmem:s26+$0x250];
	v48 =	vsub.f32 v19, v20;
	v46 =	vmul.f32 v15, v15;
	v47 =	vmul.f32 v43, v43  }
0xf7: {  	v53 =	vld [tilespmem:s26+$0xC260];
	v10 =	vsub.f32 v10, v12;
	v45 =	vmul.f32 v13, v13;
	v50 =	vsub.f32 v21, v22  }
0xf8: {  	v55 =	vld [tilespmem:s26+$0x260];
	v52 =	vmul.f32 v48, v48;
	v6 =	vadd.f32 v46, v6;
	v7 =	vadd.f32 v47, v7  }
0xf9: {  	v3 =	vadd.f32 v45, v3;
	v54 =	vsub.f32 v23, v44  }
0xfa: {  	v56 =	vld [tilespmem:s26+$0x270];
	v12 =	vmul.f32 v50, v50;
	v5 =	vadd.f32 v52, v5;
	v6 =	vadd.f32 v7, v6  }
0xfb: {  	v9 =	vsub.f32 v9, v11;
	v10 =	vmul.f32 v10, v10;
	v57 =	vsub.f32 v49, v51  }
0xfc: {  	v11 =	vmul.f32 v54, v54;
	v4 =	vadd.f32 v12, v4;
	v5 =	vadd.f32 v5, v6  }
0xfd: {  	v2 =	vadd.f32 v10, v2;
	v58 =	vmul.f32 v9, v9;
	v60 =	vsub.f32 v53, v55  }
0xfe: {  	v59 =	vmul.f32 v57, v57;
	v3 =	vadd.f32 v11, v3;
	v4 =	vadd.f32 v4, v5  }
0xff: {  	v61 =	vsub.f32 v8, v56;
	v1 =	vadd.f32 v58, v1  }
0x100: {  	v62 =	vmul.f32 v60, v60;
	v2 =	vadd.f32 v59, v2;
	v3 =	vadd.f32 v3, v4;
	_ =	sdelay $0x1  }
0x101: {  	v63 =	vmul.f32 v61, v61;
	v1 =	vadd.f32 v62, v1;
	v2 =	vadd.f32 v2, v3;
	_ =	sdelay $0x1  }
0x102: {  	v0 =	vadd.f32 v63, v0;
	v1 =	vadd.f32 v1, v2;
	_ =	sdelay $0x1  }
0x103: {  	s25 =	sadd.s32 $0x1, s25;
	v0 =	vadd.f32 v0, v1  }
0x104: {  	p0 =	sne.s32 s25, s10  }
.Ltmp4:
0x105: {  	[tilespmem:$0x18200] =	vst v0;
	(pc) =	sbr.rel @p0 .LBB2_1-.Ltmp4, $4  }
0x106: {  	[hbm4b:s9+s3] =	stream.linear.scatter [tilespmem:s24], [sflag:$0x4], $0x10, $0x38;
	[tilespmem:$0x18280] =	vst v63  }
0x107: {  	_ =	swait.ge [sflag:s11], $0x10  }
0x108: {  	[sflag:s11] =	ssyncset.done $0x0  }
0x109: {  	[sflag:s11] =	ssyncadd.s32 $0xFFFFFFF0  }
0x10a: {  	_ =	sfence.sel $0x180000  }
0x10b: {  	[bflag:$0x0] =	sbarrier.arrive $0xFFFF  }
0x10c: {  	p0 =	sne.s32 s2, $0x0;
	_ =	strace $0x90000047  }
0x10d: {  	s0 =	sadd.s32 @!p0 $0x100000, s0;
	[bflag:$0x2] =	sbarrier.arrive $0xFFFF  }
0x10e: {  	[sflag:s0] =	ssyncadd.tile.s32 @!p0 $0x1;
	_ =	shalt  }
.Lfunc_end2:
_tile_overlayer_lowered:
.L_overlay_start_2:
0x10f: {  	(tag) =	ssettag $0x2  }
0x110: {  	s0 =	rddreg [dreg:$0x0];
	s2 =	stileid.u32  }
0x111: {  	s1 =	rddreg [dreg:$0x1];
	p0 =	sne.s32 s2, $0x0  }
0x112: {  	s3 =	rddreg [dreg:$0x2];
	[bflag:$0x3] =	sbarrier.arrive $0xFFFF;
	s2 =	simm.s32 @!p0 $0x1C04  }
0x113: {  	[timem:s3], [sflag:s2] =	dma.local @!p0 [hbm:s0], s1  }
0x114: {  	s0 =	simm.s32 @!p0 $0x4  }
0x115: {  	_ =	swait.ge @!p0 [sflag:s0], s1  }
0x116: {  	s1 =	ssub.s32 @!p0 $0x0, s1;
	[sflag:s0] =	ssyncset.done @!p0 $0x0  }
0x117: {  	[sflag:s0] =	ssyncadd.s32 @!p0 s1  }
0x118: {  	[bflag:$0x3] =	sbarrier.arrive $0xFFFF  }
0x119: {  	_ =	shalt  }

</sc_bundles>
